<compile_context>
chip_gen: v7x
topology: tpu7x:2x2x1
jax: 0.10.2.dev20260603
libtpu: 0.0.44.dev20260713+nightly
codegen_flags: <defaults>
</compile_context>

<pallas_src>
import functools

import jax
import jax.numpy as jnp
from jax import lax
from jax.experimental import pallas as pl
from jax.experimental.pallas import tpu as pltpu
from jax.experimental.pallas import tpu_sc as plsc

V, D = 100000, 50
B, L = 4096, 200
DW = 64
DP = 128

_ROWS_BLK = 2000

_SIN_C = (0.9999999548237452, -0.16666631005053556, 0.008332881437869403,
          -0.00019820441209495842, 2.71236772001983e-06,
          -2.085229072921249e-08)
_COS_C = (0.9999999920027999, -0.499999915109194, 0.04166652061799905,
          -0.0013887951228876692, 2.4772988081116983e-05,
          -2.7108868439744556e-07, 1.7351891016128283e-09)


def _poly_eval(u, coeffs):
    acc = jnp.full_like(u, coeffs[-1])
    for c in reversed(coeffs[:-1]):
        acc = acc * u + c
    return acc


def _pack_half(a, p):
    ss = jnp.sum(a * a, axis=1, keepdims=True)
    inv = jnp.where(ss > 1e-24, lax.rsqrt(ss), 1e12)
    an = a * inv
    u = p * p
    cosp = _poly_eval(u, _COS_C)
    sinp = p * _poly_eval(u, _SIN_C)
    re = an * cosp
    im = an * sinp
    reb = lax.bitcast_convert_type(re, jnp.uint32)
    imb = lax.bitcast_convert_type(im, jnp.uint32)
    half = jnp.uint32(0x8000)
    himask = jnp.uint32(0xFFFF0000)
    packed_bits = (((reb + half) & himask)
                   | ((imb + half) >> 16))
    return lax.bitcast_convert_type(packed_bits, jnp.float32)


def _table_body(amp_lo, ph_lo, amp_hi, ph_hi, out_ref):
    p_lo = _pack_half(amp_lo[...], ph_lo[...])
    p_hi = _pack_half(amp_hi[...], ph_hi[...])
    pad = jnp.zeros((p_lo.shape[0], DW - D), jnp.float32)
    out_ref[...] = jnp.concatenate([p_lo, pad, p_hi, pad], axis=1)


def _build_table(amp, phase):
    nblk = V // 2 // _ROWS_BLK
    return pl.pallas_call(
        _table_body,
        grid=(nblk,),
        in_specs=[pl.BlockSpec((_ROWS_BLK, D), lambda i: (i, 0)),
                  pl.BlockSpec((_ROWS_BLK, D), lambda i: (i, 0)),
                  pl.BlockSpec((_ROWS_BLK, D), lambda i, n=nblk: (i + n, 0)),
                  pl.BlockSpec((_ROWS_BLK, D), lambda i, n=nblk: (i + n, 0))],
        out_specs=pl.BlockSpec((_ROWS_BLK, 2 * DW), lambda i: (i, 0)),
        out_shape=jax.ShapeDtypeStruct((V // 2, 2 * DW), jnp.float32),
    )(amp, phase, amp, phase)


_info = plsc.get_sparse_core_info()
_NC, _NS = _info.num_cores, _info.num_subcores
_NW = _NC * _NS
_BPW = B // _NW
_C0, _C1 = 104, 96
_NRV = DW // 16


def _pool_body(table_hbm, idx_hbm, out_hbm, idx_v, rows_a, rows_b, out_v,
               sem_a, sem_b):
    wid = lax.axis_index("s") * _NC + lax.axis_index("c")
    base = wid * _BPW
    pltpu.sync_copy(idx_hbm.at[pl.ds(base * L, _BPW * L)], idx_v)

    def fix_idx(k, carry):
        off = k * 16
        v = idx_v[pl.ds(off, 16)]
        v2 = v * 2
        idx_v[pl.ds(off, 16)] = jnp.where(v >= V // 2, v2 - (V - 1), v2)
        return carry

    lax.fori_loop(0, _BPW * L // 16, fix_idx, 0)

    def issue(b, buf, sem):
        pltpu.async_copy(table_hbm.at[idx_v.at[pl.ds(b * L, _C0)]],
                         buf.at[pl.ds(0, _C0)], sem)
        pltpu.async_copy(table_hbm.at[idx_v.at[pl.ds(b * L + _C0, _C1)]],
                         buf.at[pl.ds(_C0, _C1)], sem)

    def drain(buf, sem):
        pltpu.make_async_copy(table_hbm.at[pl.ds(0, L)], buf, sem).wait()

    hi_mask = jnp.full((16,), 0xFFFF0000, jnp.uint32)

    def accum_store(b, buf):
        def add_row(l, accre, accim):
            for j in range(_NRV):
                x = lax.bitcast_convert_type(buf[l, pl.ds(j * 16, 16)],
                                             jnp.uint32)
                re = lax.bitcast_convert_type(x & hi_mask, jnp.float32)
                im = lax.bitcast_convert_type(x << 16, jnp.float32)
                accre[j] = accre[j] + re
                accim[j] = accim[j] + im

        def body(i, acc):
            accre = list(acc[:_NRV])
            accim = list(acc[_NRV:])
            add_row(i * 2, accre, accim)
            add_row(i * 2 + 1, accre, accim)
            return tuple(accre) + tuple(accim)

        acc0 = tuple(jnp.zeros((16,), jnp.float32) for _ in range(2 * _NRV))
        acc = lax.fori_loop(0, L // 2, body, acc0)
        for j in range(_NRV):
            out_v[b, pl.ds(j * 16, 16)] = acc[j] * (1.0 / L)
            out_v[b, pl.ds(DW + j * 16, 16)] = acc[_NRV + j] * (1.0 / L)

    issue(0, rows_a, sem_a)
    issue(1, rows_b, sem_b)

    def outer(i, carry):
        b = i * 2
        drain(rows_a, sem_a)
        accum_store(b, rows_a)

        @pl.when(b + 2 < _BPW)
        def _():
            issue(b + 2, rows_a, sem_a)

        drain(rows_b, sem_b)
        accum_store(b + 1, rows_b)

        @pl.when(b + 3 < _BPW)
        def _():
            issue(b + 3, rows_b, sem_b)

        return carry

    lax.fori_loop(0, _BPW // 2, outer, 0)
    pltpu.sync_copy(out_v, out_hbm.at[pl.ds(base, _BPW)])


@functools.partial(
    pl.kernel,
    mesh=plsc.VectorSubcoreMesh(core_axis_name="c", subcore_axis_name="s"),
    out_type=jax.ShapeDtypeStruct((B, DP), jnp.float32),
    scratch_types=[
        pltpu.VMEM((_BPW * L,), jnp.int32),
        pltpu.VMEM((L, DW), jnp.float32),
        pltpu.VMEM((L, DW), jnp.float32),
        pltpu.VMEM((_BPW, DP), jnp.float32),
        pltpu.SemaphoreType.DMA,
        pltpu.SemaphoreType.DMA,
    ],
    compiler_params=pltpu.CompilerParams(use_tc_tiling_on_sc=False),
)
def _pool(table_hbm, idx_hbm, out_hbm, idx_v, rows_a, rows_b, out_v,
          sem_a, sem_b):
    _pool_body(table_hbm, idx_hbm, out_hbm, idx_v, rows_a, rows_b, out_v,
               sem_a, sem_b)


def _head_body(x_ref, w1_ref, b1_ref, g_ref, bt_ref, w2_ref, b2_ref, out_ref):
    x = x_ref[...]
    h = jnp.dot(x, w1_ref[...], preferred_element_type=jnp.float32)
    h = h + b1_ref[...]
    mu = jnp.mean(h, axis=0, keepdims=True)
    hc = h - mu
    var = jnp.mean(hc * hc, axis=0, keepdims=True)
    hn = hc * lax.rsqrt(var + 1e-5) * g_ref[...] + bt_ref[...]
    out_ref[...] = (jnp.dot(hn, w2_ref[...], preferred_element_type=jnp.float32)
                    + b2_ref[...])


def _head(x, w1t, b1, gamma, beta, w2t, b2):
    return pl.pallas_call(
        _head_body,
        out_shape=jax.ShapeDtypeStruct((B, 2), jnp.float32),
    )(x, w1t, b1, gamma, beta, w2t, b2)


def kernel(inp, amp_table, phase_table, W1, b1, gamma, beta, W2, b2):
    table_pairs = _build_table(amp_table, phase_table)
    table64 = table_pairs.reshape(V, DW)
    pooled = _pool(table64, inp.astype(jnp.int32).reshape(B * L))
    w1t = jnp.concatenate(
        [W1.T[:D], jnp.zeros((DW - D, 400), jnp.float32),
         W1.T[D:], jnp.zeros((DW - D, 400), jnp.float32)], axis=0)
    out = _head(pooled, w1t, b1[None, :], gamma[None, :], beta[None, :],
                W2.T, b2[None, :])
    return out

# --- scband reference (transcript-rebuilt; emitter-appended) ---
"""Pipeline reference for scband-complex-fast-text-53970559041540 (READ-ONLY COPY).

The authoritative reference and input builder live on the scoring server;
editing this copy changes nothing except your own understanding.
"""

import jax, jax.numpy as jnp
import numpy as np

V, D = 100000, 50
B, L = 4096, 200

def setup_inputs(seed: int = 0) -> dict:
    key = jax.random.key(seed)
    ks = jax.random.split(key, 8)
    inp = jax.random.randint(ks[0], (B, L), 0, V)
    amp_table = jax.random.normal(ks[1], (V, D), dtype=jnp.float32)
    phase_table = jax.random.uniform(ks[2], (V, D), dtype=jnp.float32, minval=-np.pi, maxval=np.pi)
    W1 = jax.random.normal(ks[3], (400, 100), dtype=jnp.float32) * 0.1
    b1 = jnp.zeros((400,), dtype=jnp.float32)
    gamma = jnp.ones((400,), dtype=jnp.float32)
    beta = jnp.zeros((400,), dtype=jnp.float32)
    W2 = jax.random.normal(ks[4], (2, 400), dtype=jnp.float32) * 0.05
    b2 = jnp.zeros((2,), dtype=jnp.float32)
    return {"inp": inp, "amp_table": amp_table, "phase_table": phase_table,
            "W1": W1, "b1": b1, "gamma": gamma, "beta": beta, "W2": W2, "b2": b2}

def reference(inp, amp_table, phase_table, W1, b1, gamma, beta, W2, b2):
    # ComplexEmbedding: amplitude from pretrained lookup table, phase is a learned table
    amplitude = jnp.take(amp_table, inp, axis=0)   # [B, L, D]
    phase = jnp.take(phase_table, inp, axis=0)     # [B, L, D]
    # L2Normalization(dim=-1)
    norm = jnp.sqrt(jnp.sum(amplitude * amplitude, axis=-1, keepdims=True))
    amplitude = amplitude / jnp.maximum(norm, 1e-12)
    # ComplexMultiply([phase, amplitude]) -> (amp*cos(phase), amp*sin(phase))
    real_embed = amplitude * jnp.cos(phase)
    imag_embed = amplitude * jnp.sin(phase)
    embed = jnp.concatenate([real_embed, imag_embed], axis=2)  # [B, L, 2D]
    output = jnp.mean(embed, axis=1)               # [B, 100]
    # Linear(100, 400)
    output = output @ W1.T + b1
    # BatchNorm1d(400) in training mode (batch statistics, biased var)
    mu = jnp.mean(output, axis=0)
    var = jnp.var(output, axis=0)
    output = (output - mu) / jnp.sqrt(var + 1e-5) * gamma + beta
    # Linear(400, 2)
    output = output @ W2.T + b2
    return output

if __name__ == "__main__":
    import jax
    _d = setup_inputs()
    print(jax.jit(kernel)(*tuple(_d.values())))

</pallas_src>

<mosaic_0001>
#map = affine_map<(d0, d1) -> (0, 0)>
#map1 = affine_map<(d0, d1) -> (0)>
module attributes {stable_mosaic.version = 14 : i64} {
  func.func @_pool(%arg0: i32, %arg1: i32, %arg2: memref<100000x64xf32, #tpu.memory_space<hbm>>, %arg3: memref<819200xi32, #tpu.memory_space<hbm>>, %arg4: memref<4096x128xf32, #tpu.memory_space<hbm>>, %arg5: memref<25600xi32, #tpu.memory_space<vmem>>, %arg6: memref<200x64xf32, #tpu.memory_space<vmem>>, %arg7: memref<200x64xf32, #tpu.memory_space<vmem>>, %arg8: memref<128x128xf32, #tpu.memory_space<vmem>>, %arg9: memref<!tpu.dma_semaphore, #tpu.memory_space<semaphore_mem>>, %arg10: memref<!tpu.dma_semaphore, #tpu.memory_space<semaphore_mem>>) attributes {dimension_semantics = [#tpu.dimension_semantics<core_parallel>, #tpu.dimension_semantics<subcore_parallel>], iteration_bounds = array<i64: 2, 16>, scalar_prefetch = 0 : i64, scratch_operands = 6 : i64, tpu.core_type = #tpu.core_type<sc_vector_subcore>, window_params = [{transform_indices = #map}, {transform_indices = #map1}, {transform_indices = #map}]} {
    %mul3A = arith.constant 2 : i32
    %mul3A_0 = arith.muli %arg1, %mul3A : i32
    %add3A = arith.addi %mul3A_0, %arg0 : i32
    %mul3A_1 = arith.constant 128 : i32
    %mul3A_2 = arith.muli %add3A, %mul3A_1 : i32
    %mul3A_3 = arith.constant 200 : i32
    %mul3A_4 = arith.muli %mul3A_2, %mul3A_3 : i32
    "tpu.region"() ({
      %run_scoped3A = tpu.sem_alloc : memref<!tpu.dma_semaphore, #tpu.memory_space<semaphore_mem>>
      %dma_start3A_48 = tpu.memref_slice %arg3[%mul3A_4] : memref<819200xi32, #tpu.memory_space<hbm>> -> memref<25600xi32, #tpu.memory_space<hbm>>
      %dma_start3A_49 = tpu.memref_slice %arg3[%mul3A_4] : memref<819200xi32, #tpu.memory_space<hbm>> -> memref<25600xi32, #tpu.memory_space<hbm>>
      tpu.enqueue_dma source(%dma_start3A_49 : memref<25600xi32, #tpu.memory_space<hbm>>) target(%arg5 : memref<25600xi32, #tpu.memory_space<vmem>>) target_semaphore(%run_scoped3A : memref<!tpu.dma_semaphore, #tpu.memory_space<semaphore_mem>>)
      %dma_wait3A = tpu.memref_slice %arg3[%mul3A_4] : memref<819200xi32, #tpu.memory_space<hbm>> -> memref<25600xi32, #tpu.memory_space<hbm>>
      %dma_wait3A_50 = tpu.memref_slice %arg3[%mul3A_4] : memref<819200xi32, #tpu.memory_space<hbm>> -> memref<25600xi32, #tpu.memory_space<hbm>>
      tpu.wait_dma2 semaphore(%run_scoped3A : memref<!tpu.dma_semaphore, #tpu.memory_space<semaphore_mem>>) src(%dma_wait3A_50 : memref<25600xi32, #tpu.memory_space<hbm>>) dst(%arg5 : memref<25600xi32, #tpu.memory_space<vmem>>)
      tpu.yield
    }) : () -> ()
    %scan3A = arith.constant 0 : i32
    %scan3A_5 = arith.constant 0 : i32
    %scan3A_6 = arith.constant 1600 : i32
    %scan3A_7 = arith.addi %scan3A_5, %scan3A_6 : i32
    %scan3A_8 = arith.constant 1 : i32
    scf.for %scan3A_48 = %scan3A_5 to %scan3A_7 step %scan3A_8  : i32 {
      %mul3A_49 = arith.constant 16 : i32
      %mul3A_50 = arith.muli %scan3A_48, %mul3A_49 : i32
      %get3A = arith.index_cast %mul3A_50 : i32 to index
      %get3A_51 = tpu.vector_load %arg5[%get3A] {strides = array<i32>} : memref<25600xi32, #tpu.memory_space<vmem>>, vector<16xi32>,
      %get3A_52 = vector.shape_cast %get3A_51 : vector<16xi32> to vector<16xi32>
      %mul3A_53 = arith.constant 2 : i32
      %mul3A_54 = vector.broadcast %mul3A_53 : i32 to vector<16xi32>
      %mul3A_55 = arith.muli %get3A_52, %mul3A_54 : vector<16xi32>
      %ge3A = arith.constant 50000 : i32
      %ge3A_56 = vector.broadcast %ge3A : i32 to vector<16xi32>
      %ge3A_57 = arith.cmpi sge, %get3A_52, %ge3A_56 : vector<16xi32>
      %sub3A = arith.constant 99999 : i32
      %sub3A_58 = vector.broadcast %sub3A : i32 to vector<16xi32>
      %sub3A_59 = arith.subi %mul3A_55, %sub3A_58 : vector<16xi32>
      %select_n3A = arith.select %ge3A_57, %sub3A_59, %mul3A_55 : vector<16xi1>, vector<16xi32>
      %swap3A = arith.index_cast %mul3A_50 : i32 to index
      %swap3A_60 = tpu.vector_load %arg5[%swap3A] {strides = array<i32>} : memref<25600xi32, #tpu.memory_space<vmem>>, vector<16xi32>,
      %swap3A_61 = vector.shape_cast %swap3A_60 : vector<16xi32> to vector<16xi32>
      %swap3A_62 = vector.shape_cast %select_n3A : vector<16xi32> to vector<16xi32>
      tpu.vector_store %arg5[%swap3A], %swap3A_62 {strides = array<i32>} : memref<25600xi32, #tpu.memory_space<vmem>>, vector<16xi32>,
    }
    %scan3A_9 = arith.constant 1600 : i32
    %broadcast_in_dim3A = arith.constant -65536 : i32
    %broadcast_in_dim3A_10 = vector.broadcast %broadcast_in_dim3A : i32 to vector<16xi32>
    %dma_start3A = arith.constant 0 : i32
    %dma_start3A_11 = arith.constant 0 : i32
    %dma_start3A_12 = tpu.memref_slice %arg6[%dma_start3A, %dma_start3A_11] : memref<200x64xf32, #tpu.memory_space<vmem>> -> memref<104x64xf32, #tpu.memory_space<vmem>>
    %dma_start3A_13 = arith.constant 0 : i32
    %dma_start3A_14 = tpu.memref_slice %arg5[%dma_start3A_13] : memref<25600xi32, #tpu.memory_space<vmem>> -> memref<104xi32, #tpu.memory_space<vmem>>
    %dma_start3A_15 = arith.constant 0 : i32
    %dma_start3A_16 = arith.constant 0 : i32
    %dma_start3A_17 = tpu.memref_slice %arg2[%dma_start3A_15, %dma_start3A_16] : memref<100000x64xf32, #tpu.memory_space<hbm>> -> memref<100000x64xf32, #tpu.memory_space<hbm>>
    tpu.enqueue_indirect_dma source(%dma_start3A_17 : memref<100000x64xf32, #tpu.memory_space<hbm>>) target(%dma_start3A_12 : memref<104x64xf32, #tpu.memory_space<vmem>>) offsets(%dma_start3A_14 : memref<104xi32, #tpu.memory_space<vmem>>) semaphore(%arg9 : memref<!tpu.dma_semaphore, #tpu.memory_space<semaphore_mem>>)
    %dma_start3A_18 = arith.constant 104 : i32
    %dma_start3A_19 = arith.constant 0 : i32
    %dma_start3A_20 = tpu.memref_slice %arg6[%dma_start3A_18, %dma_start3A_19] : memref<200x64xf32, #tpu.memory_space<vmem>> -> memref<96x64xf32, #tpu.memory_space<vmem>>
    %dma_start3A_21 = arith.constant 104 : i32
    %dma_start3A_22 = tpu.memref_slice %arg5[%dma_start3A_21] : memref<25600xi32, #tpu.memory_space<vmem>> -> memref<96xi32, #tpu.memory_space<vmem>>
    %dma_start3A_23 = arith.constant 0 : i32
    %dma_start3A_24 = arith.constant 0 : i32
    %dma_start3A_25 = tpu.memref_slice %arg2[%dma_start3A_23, %dma_start3A_24] : memref<100000x64xf32, #tpu.memory_space<hbm>> -> memref<100000x64xf32, #tpu.memory_space<hbm>>
    tpu.enqueue_indirect_dma source(%dma_start3A_25 : memref<100000x64xf32, #tpu.memory_space<hbm>>) target(%dma_start3A_20 : memref<96x64xf32, #tpu.memory_space<vmem>>) offsets(%dma_start3A_22 : memref<96xi32, #tpu.memory_space<vmem>>) semaphore(%arg9 : memref<!tpu.dma_semaphore, #tpu.memory_space<semaphore_mem>>)
    %dma_start3A_26 = arith.constant 0 : i32
    %dma_start3A_27 = arith.constant 0 : i32
    %dma_start3A_28 = tpu.memref_slice %arg7[%dma_start3A_26, %dma_start3A_27] : memref<200x64xf32, #tpu.memory_space<vmem>> -> memref<104x64xf32, #tpu.memory_space<vmem>>
    %dma_start3A_29 = arith.constant 200 : i32
    %dma_start3A_30 = tpu.memref_slice %arg5[%dma_start3A_29] : memref<25600xi32, #tpu.memory_space<vmem>> -> memref<104xi32, #tpu.memory_space<vmem>>
    %dma_start3A_31 = arith.constant 0 : i32
    %dma_start3A_32 = arith.constant 0 : i32
    %dma_start3A_33 = tpu.memref_slice %arg2[%dma_start3A_31, %dma_start3A_32] : memref<100000x64xf32, #tpu.memory_space<hbm>> -> memref<100000x64xf32, #tpu.memory_space<hbm>>
    tpu.enqueue_indirect_dma source(%dma_start3A_33 : memref<100000x64xf32, #tpu.memory_space<hbm>>) target(%dma_start3A_28 : memref<104x64xf32, #tpu.memory_space<vmem>>) offsets(%dma_start3A_30 : memref<104xi32, #tpu.memory_space<vmem>>) semaphore(%arg10 : memref<!tpu.dma_semaphore, #tpu.memory_space<semaphore_mem>>)
    %dma_start3A_34 = arith.constant 104 : i32
    %dma_start3A_35 = arith.constant 0 : i32
    %dma_start3A_36 = tpu.memref_slice %arg7[%dma_start3A_34, %dma_start3A_35] : memref<200x64xf32, #tpu.memory_space<vmem>> -> memref<96x64xf32, #tpu.memory_space<vmem>>
    %dma_start3A_37 = arith.constant 304 : i32
    %dma_start3A_38 = tpu.memref_slice %arg5[%dma_start3A_37] : memref<25600xi32, #tpu.memory_space<vmem>> -> memref<96xi32, #tpu.memory_space<vmem>>
    %dma_start3A_39 = arith.constant 0 : i32
    %dma_start3A_40 = arith.constant 0 : i32
    %dma_start3A_41 = tpu.memref_slice %arg2[%dma_start3A_39, %dma_start3A_40] : memref<100000x64xf32, #tpu.memory_space<hbm>> -> memref<100000x64xf32, #tpu.memory_space<hbm>>
    tpu.enqueue_indirect_dma source(%dma_start3A_41 : memref<100000x64xf32, #tpu.memory_space<hbm>>) target(%dma_start3A_36 : memref<96x64xf32, #tpu.memory_space<vmem>>) offsets(%dma_start3A_38 : memref<96xi32, #tpu.memory_space<vmem>>) semaphore(%arg10 : memref<!tpu.dma_semaphore, #tpu.memory_space<semaphore_mem>>)
    %scan3A_42 = arith.constant 0 : i32
    %scan3A_43 = arith.constant 0 : i32
    %scan3A_44 = arith.constant 64 : i32
    %scan3A_45 = arith.addi %scan3A_43, %scan3A_44 : i32
    %scan3A_46 = arith.constant 1 : i32
    scf.for %scan3A_48 = %scan3A_43 to %scan3A_45 step %scan3A_46  : i32 {
      %mul3A_49 = arith.constant 2 : i32
      %mul3A_50 = arith.muli %scan3A_48, %mul3A_49 : i32
      %dma_wait3A = arith.constant 0 : i32
      %dma_wait3A_51 = arith.constant 0 : i32
      %dma_wait3A_52 = tpu.memref_slice %arg2[%dma_wait3A, %dma_wait3A_51] : memref<100000x64xf32, #tpu.memory_space<hbm>> -> memref<200x64xf32, #tpu.memory_space<hbm>>
      %dma_wait3A_53 = arith.constant 0 : i32
      %dma_wait3A_54 = arith.constant 0 : i32
      %dma_wait3A_55 = tpu.memref_slice %arg2[%dma_wait3A_53, %dma_wait3A_54] : memref<100000x64xf32, #tpu.memory_space<hbm>> -> memref<200x64xf32, #tpu.memory_space<hbm>>
      tpu.wait_dma2 semaphore(%arg9 : memref<!tpu.dma_semaphore, #tpu.memory_space<semaphore_mem>>) src(%dma_wait3A_55 : memref<200x64xf32, #tpu.memory_space<hbm>>) dst(%arg6 : memref<200x64xf32, #tpu.memory_space<vmem>>)
      %broadcast_in_dim3A_56 = arith.constant 0.000000e+00 : f32
      %broadcast_in_dim3A_57 = vector.broadcast %broadcast_in_dim3A_56 : f32 to vector<16xf32>
      %broadcast_in_dim3A_58 = arith.constant 0.000000e+00 : f32
      %broadcast_in_dim3A_59 = vector.broadcast %broadcast_in_dim3A_58 : f32 to vector<16xf32>
      %broadcast_in_dim3A_60 = arith.constant 0.000000e+00 : f32
      %broadcast_in_dim3A_61 = vector.broadcast %broadcast_in_dim3A_60 : f32 to vector<16xf32>
      %broadcast_in_dim3A_62 = arith.constant 0.000000e+00 : f32
      %broadcast_in_dim3A_63 = vector.broadcast %broadcast_in_dim3A_62 : f32 to vector<16xf32>
      %broadcast_in_dim3A_64 = arith.constant 0.000000e+00 : f32
      %broadcast_in_dim3A_65 = vector.broadcast %broadcast_in_dim3A_64 : f32 to vector<16xf32>
      %broadcast_in_dim3A_66 = arith.constant 0.000000e+00 : f32
      %broadcast_in_dim3A_67 = vector.broadcast %broadcast_in_dim3A_66 : f32 to vector<16xf32>
      %broadcast_in_dim3A_68 = arith.constant 0.000000e+00 : f32
      %broadcast_in_dim3A_69 = vector.broadcast %broadcast_in_dim3A_68 : f32 to vector<16xf32>
      %broadcast_in_dim3A_70 = arith.constant 0.000000e+00 : f32
      %broadcast_in_dim3A_71 = vector.broadcast %broadcast_in_dim3A_70 : f32 to vector<16xf32>
      %scan3A_72 = arith.constant 0 : i32
      %scan3A_73 = arith.constant 100 : i32
      %scan3A_74 = arith.addi %scan3A_72, %scan3A_73 : i32
      %scan3A_75 = arith.constant 1 : i32
      %scan3A_76:8 = scf.for %scan3A_246 = %scan3A_72 to %scan3A_74 step %scan3A_75 iter_args(%scan3A_247 = %broadcast_in_dim3A_57, %scan3A_248 = %broadcast_in_dim3A_59, %scan3A_249 = %broadcast_in_dim3A_61, %scan3A_250 = %broadcast_in_dim3A_63, %scan3A_251 = %broadcast_in_dim3A_65, %scan3A_252 = %broadcast_in_dim3A_67, %scan3A_253 = %broadcast_in_dim3A_69, %scan3A_254 = %broadcast_in_dim3A_71) -> (vector<16xf32>, vector<16xf32>, vector<16xf32>, vector<16xf32>, vector<16xf32>, vector<16xf32>, vector<16xf32>, vector<16xf32>)  : i32 {
        %mul3A_255 = arith.constant 2 : i32
        %mul3A_256 = arith.muli %scan3A_246, %mul3A_255 : i32
        %get3A = arith.index_cast %mul3A_256 : i32 to index
        %get3A_257 = arith.constant 0 : index
        %get3A_258 = tpu.vector_load %arg6[%get3A, %get3A_257] {strides = array<i32>} : memref<200x64xf32, #tpu.memory_space<vmem>>, vector<1x16xf32>,
        %get3A_259 = vector.shape_cast %get3A_258 : vector<1x16xf32> to vector<16xf32>
        %bitcast_convert_type3A = tpu.bitcast %get3A_259 : vector<16xf32> -> vector<16xi32>
        %and3A = arith.andi %bitcast_convert_type3A, %broadcast_in_dim3A_10 : vector<16xi32>
        %bitcast_convert_type3A_260 = tpu.bitcast %and3A : vector<16xi32> -> vector<16xf32>
        %shift_left3A = arith.constant 16 : i32
        %shift_left3A_261 = vector.broadcast %shift_left3A : i32 to vector<16xi32>
        %shift_left3A_262 = arith.shli %bitcast_convert_type3A, %shift_left3A_261 : vector<16xi32>
        %bitcast_convert_type3A_263 = tpu.bitcast %shift_left3A_262 : vector<16xi32> -> vector<16xf32>
        %add3A_264 = arith.addf %scan3A_247, %bitcast_convert_type3A_260 : vector<16xf32>
        %add3A_265 = arith.addf %scan3A_251, %bitcast_convert_type3A_263 : vector<16xf32>
        %get3A_266 = arith.index_cast %mul3A_256 : i32 to index
        %get3A_267 = arith.constant 16 : index
        %get3A_268 = tpu.vector_load %arg6[%get3A_266, %get3A_267] {strides = array<i32>} : memref<200x64xf32, #tpu.memory_space<vmem>>, vector<1x16xf32>,
        %get3A_269 = vector.shape_cast %get3A_268 : vector<1x16xf32> to vector<16xf32>
        %bitcast_convert_type3A_270 = tpu.bitcast %get3A_269 : vector<16xf32> -> vector<16xi32>
        %and3A_271 = arith.andi %bitcast_convert_type3A_270, %broadcast_in_dim3A_10 : vector<16xi32>
        %bitcast_convert_type3A_272 = tpu.bitcast %and3A_271 : vector<16xi32> -> vector<16xf32>
        %shift_left3A_273 = arith.constant 16 : i32
        %shift_left3A_274 = vector.broadcast %shift_left3A_273 : i32 to vector<16xi32>
        %shift_left3A_275 = arith.shli %bitcast_convert_type3A_270, %shift_left3A_274 : vector<16xi32>
        %bitcast_convert_type3A_276 = tpu.bitcast %shift_left3A_275 : vector<16xi32> -> vector<16xf32>
        %add3A_277 = arith.addf %scan3A_248, %bitcast_convert_type3A_272 : vector<16xf32>
        %add3A_278 = arith.addf %scan3A_252, %bitcast_convert_type3A_276 : vector<16xf32>
        %get3A_279 = arith.index_cast %mul3A_256 : i32 to index
        %get3A_280 = arith.constant 32 : index
        %get3A_281 = tpu.vector_load %arg6[%get3A_279, %get3A_280] {strides = array<i32>} : memref<200x64xf32, #tpu.memory_space<vmem>>, vector<1x16xf32>,
        %get3A_282 = vector.shape_cast %get3A_281 : vector<1x16xf32> to vector<16xf32>
        %bitcast_convert_type3A_283 = tpu.bitcast %get3A_282 : vector<16xf32> -> vector<16xi32>
        %and3A_284 = arith.andi %bitcast_convert_type3A_283, %broadcast_in_dim3A_10 : vector<16xi32>
        %bitcast_convert_type3A_285 = tpu.bitcast %and3A_284 : vector<16xi32> -> vector<16xf32>
        %shift_left3A_286 = arith.constant 16 : i32
        %shift_left3A_287 = vector.broadcast %shift_left3A_286 : i32 to vector<16xi32>
        %shift_left3A_288 = arith.shli %bitcast_convert_type3A_283, %shift_left3A_287 : vector<16xi32>
        %bitcast_convert_type3A_289 = tpu.bitcast %shift_left3A_288 : vector<16xi32> -> vector<16xf32>
        %add3A_290 = arith.addf %scan3A_249, %bitcast_convert_type3A_285 : vector<16xf32>
        %add3A_291 = arith.addf %scan3A_253, %bitcast_convert_type3A_289 : vector<16xf32>
        %get3A_292 = arith.index_cast %mul3A_256 : i32 to index
        %get3A_293 = arith.constant 48 : index
        %get3A_294 = tpu.vector_load %arg6[%get3A_292, %get3A_293] {strides = array<i32>} : memref<200x64xf32, #tpu.memory_space<vmem>>, vector<1x16xf32>,
        %get3A_295 = vector.shape_cast %get3A_294 : vector<1x16xf32> to vector<16xf32>
        %bitcast_convert_type3A_296 = tpu.bitcast %get3A_295 : vector<16xf32> -> vector<16xi32>
        %and3A_297 = arith.andi %bitcast_convert_type3A_296, %broadcast_in_dim3A_10 : vector<16xi32>
        %bitcast_convert_type3A_298 = tpu.bitcast %and3A_297 : vector<16xi32> -> vector<16xf32>
        %shift_left3A_299 = arith.constant 16 : i32
        %shift_left3A_300 = vector.broadcast %shift_left3A_299 : i32 to vector<16xi32>
        %shift_left3A_301 = arith.shli %bitcast_convert_type3A_296, %shift_left3A_300 : vector<16xi32>
        %bitcast_convert_type3A_302 = tpu.bitcast %shift_left3A_301 : vector<16xi32> -> vector<16xf32>
        %add3A_303 = arith.addf %scan3A_250, %bitcast_convert_type3A_298 : vector<16xf32>
        %add3A_304 = arith.addf %scan3A_254, %bitcast_convert_type3A_302 : vector<16xf32>
        %mul3A_305 = arith.constant 2 : i32
        %mul3A_306 = arith.muli %scan3A_246, %mul3A_305 : i32
        %add3A_307 = arith.constant 1 : i32
        %add3A_308 = arith.addi %mul3A_306, %add3A_307 : i32
        %get3A_309 = arith.index_cast %add3A_308 : i32 to index
        %get3A_310 = arith.constant 0 : index
        %get3A_311 = tpu.vector_load %arg6[%get3A_309, %get3A_310] {strides = array<i32>} : memref<200x64xf32, #tpu.memory_space<vmem>>, vector<1x16xf32>,
        %get3A_312 = vector.shape_cast %get3A_311 : vector<1x16xf32> to vector<16xf32>
        %bitcast_convert_type3A_313 = tpu.bitcast %get3A_312 : vector<16xf32> -> vector<16xi32>
        %and3A_314 = arith.andi %bitcast_convert_type3A_313, %broadcast_in_dim3A_10 : vector<16xi32>
        %bitcast_convert_type3A_315 = tpu.bitcast %and3A_314 : vector<16xi32> -> vector<16xf32>
        %shift_left3A_316 = arith.constant 16 : i32
        %shift_left3A_317 = vector.broadcast %shift_left3A_316 : i32 to vector<16xi32>
        %shift_left3A_318 = arith.shli %bitcast_convert_type3A_313, %shift_left3A_317 : vector<16xi32>
        %bitcast_convert_type3A_319 = tpu.bitcast %shift_left3A_318 : vector<16xi32> -> vector<16xf32>
        %add3A_320 = arith.addf %add3A_264, %bitcast_convert_type3A_315 : vector<16xf32>
        %add3A_321 = arith.addf %add3A_265, %bitcast_convert_type3A_319 : vector<16xf32>
        %get3A_322 = arith.index_cast %add3A_308 : i32 to index
        %get3A_323 = arith.constant 16 : index
        %get3A_324 = tpu.vector_load %arg6[%get3A_322, %get3A_323] {strides = array<i32>} : memref<200x64xf32, #tpu.memory_space<vmem>>, vector<1x16xf32>,
        %get3A_325 = vector.shape_cast %get3A_324 : vector<1x16xf32> to vector<16xf32>
        %bitcast_convert_type3A_326 = tpu.bitcast %get3A_325 : vector<16xf32> -> vector<16xi32>
        %and3A_327 = arith.andi %bitcast_convert_type3A_326, %broadcast_in_dim3A_10 : vector<16xi32>
        %bitcast_convert_type3A_328 = tpu.bitcast %and3A_327 : vector<16xi32> -> vector<16xf32>
        %shift_left3A_329 = arith.constant 16 : i32
        %shift_left3A_330 = vector.broadcast %shift_left3A_329 : i32 to vector<16xi32>
        %shift_left3A_331 = arith.shli %bitcast_convert_type3A_326, %shift_left3A_330 : vector<16xi32>
        %bitcast_convert_type3A_332 = tpu.bitcast %shift_left3A_331 : vector<16xi32> -> vector<16xf32>
        %add3A_333 = arith.addf %add3A_277, %bitcast_convert_type3A_328 : vector<16xf32>
        %add3A_334 = arith.addf %add3A_278, %bitcast_convert_type3A_332 : vector<16xf32>
        %get3A_335 = arith.index_cast %add3A_308 : i32 to index
        %get3A_336 = arith.constant 32 : index
        %get3A_337 = tpu.vector_load %arg6[%get3A_335, %get3A_336] {strides = array<i32>} : memref<200x64xf32, #tpu.memory_space<vmem>>, vector<1x16xf32>,
        %get3A_338 = vector.shape_cast %get3A_337 : vector<1x16xf32> to vector<16xf32>
        %bitcast_convert_type3A_339 = tpu.bitcast %get3A_338 : vector<16xf32> -> vector<16xi32>
        %and3A_340 = arith.andi %bitcast_convert_type3A_339, %broadcast_in_dim3A_10 : vector<16xi32>
        %bitcast_convert_type3A_341 = tpu.bitcast %and3A_340 : vector<16xi32> -> vector<16xf32>
        %shift_left3A_342 = arith.constant 16 : i32
        %shift_left3A_343 = vector.broadcast %shift_left3A_342 : i32 to vector<16xi32>
        %shift_left3A_344 = arith.shli %bitcast_convert_type3A_339, %shift_left3A_343 : vector<16xi32>
        %bitcast_convert_type3A_345 = tpu.bitcast %shift_left3A_344 : vector<16xi32> -> vector<16xf32>
        %add3A_346 = arith.addf %add3A_290, %bitcast_convert_type3A_341 : vector<16xf32>
        %add3A_347 = arith.addf %add3A_291, %bitcast_convert_type3A_345 : vector<16xf32>
        %get3A_348 = arith.index_cast %add3A_308 : i32 to index
        %get3A_349 = arith.constant 48 : index
        %get3A_350 = tpu.vector_load %arg6[%get3A_348, %get3A_349] {strides = array<i32>} : memref<200x64xf32, #tpu.memory_space<vmem>>, vector<1x16xf32>,
        %get3A_351 = vector.shape_cast %get3A_350 : vector<1x16xf32> to vector<16xf32>
        %bitcast_convert_type3A_352 = tpu.bitcast %get3A_351 : vector<16xf32> -> vector<16xi32>
        %and3A_353 = arith.andi %bitcast_convert_type3A_352, %broadcast_in_dim3A_10 : vector<16xi32>
        %bitcast_convert_type3A_354 = tpu.bitcast %and3A_353 : vector<16xi32> -> vector<16xf32>
        %shift_left3A_355 = arith.constant 16 : i32
        %shift_left3A_356 = vector.broadcast %shift_left3A_355 : i32 to vector<16xi32>
        %shift_left3A_357 = arith.shli %bitcast_convert_type3A_352, %shift_left3A_356 : vector<16xi32>
        %bitcast_convert_type3A_358 = tpu.bitcast %shift_left3A_357 : vector<16xi32> -> vector<16xf32>
        %add3A_359 = arith.addf %add3A_303, %bitcast_convert_type3A_354 : vector<16xf32>
        %add3A_360 = arith.addf %add3A_304, %bitcast_convert_type3A_358 : vector<16xf32>
        scf.yield %add3A_320, %add3A_333, %add3A_346, %add3A_359, %add3A_321, %add3A_334, %add3A_347, %add3A_360 : vector<16xf32>, vector<16xf32>, vector<16xf32>, vector<16xf32>, vector<16xf32>, vector<16xf32>, vector<16xf32>, vector<16xf32>
      }
      %scan3A_77 = arith.constant 100 : i32
      %mul3A_78 = arith.constant 5.000000e-03 : f32
      %mul3A_79 = vector.broadcast %mul3A_78 : f32 to vector<16xf32>
      %mul3A_80 = arith.mulf %scan3A_76#0, %mul3A_79 : vector<16xf32>
      %swap3A = arith.index_cast %mul3A_50 : i32 to index
      %swap3A_81 = arith.constant 0 : index
      %swap3A_82 = tpu.vector_load %arg8[%swap3A, %swap3A_81] {strides = array<i32>} : memref<128x128xf32, #tpu.memory_space<vmem>>, vector<1x16xf32>,
      %swap3A_83 = vector.shape_cast %swap3A_82 : vector<1x16xf32> to vector<16xf32>
      %swap3A_84 = vector.shape_cast %mul3A_80 : vector<16xf32> to vector<1x16xf32>
      tpu.vector_store %arg8[%swap3A, %swap3A_81], %swap3A_84 {strides = array<i32>} : memref<128x128xf32, #tpu.memory_space<vmem>>, vector<1x16xf32>,
      %mul3A_85 = arith.constant 5.000000e-03 : f32
      %mul3A_86 = vector.broadcast %mul3A_85 : f32 to vector<16xf32>
      %mul3A_87 = arith.mulf %scan3A_76#4, %mul3A_86 : vector<16xf32>
      %swap3A_88 = arith.index_cast %mul3A_50 : i32 to index
      %swap3A_89 = arith.constant 64 : index
      %swap3A_90 = tpu.vector_load %arg8[%swap3A_88, %swap3A_89] {strides = array<i32>} : memref<128x128xf32, #tpu.memory_space<vmem>>, vector<1x16xf32>,
      %swap3A_91 = vector.shape_cast %swap3A_90 : vector<1x16xf32> to vector<16xf32>
      %swap3A_92 = vector.shape_cast %mul3A_87 : vector<16xf32> to vector<1x16xf32>
      tpu.vector_store %arg8[%swap3A_88, %swap3A_89], %swap3A_92 {strides = array<i32>} : memref<128x128xf32, #tpu.memory_space<vmem>>, vector<1x16xf32>,
      %mul3A_93 = arith.constant 5.000000e-03 : f32
      %mul3A_94 = vector.broadcast %mul3A_93 : f32 to vector<16xf32>
      %mul3A_95 = arith.mulf %scan3A_76#1, %mul3A_94 : vector<16xf32>
      %swap3A_96 = arith.index_cast %mul3A_50 : i32 to index
      %swap3A_97 = arith.constant 16 : index
      %swap3A_98 = tpu.vector_load %arg8[%swap3A_96, %swap3A_97] {strides = array<i32>} : memref<128x128xf32, #tpu.memory_space<vmem>>, vector<1x16xf32>,
      %swap3A_99 = vector.shape_cast %swap3A_98 : vector<1x16xf32> to vector<16xf32>
      %swap3A_100 = vector.shape_cast %mul3A_95 : vector<16xf32> to vector<1x16xf32>
      tpu.vector_store %arg8[%swap3A_96, %swap3A_97], %swap3A_100 {strides = array<i32>} : memref<128x128xf32, #tpu.memory_space<vmem>>, vector<1x16xf32>,
      %mul3A_101 = arith.constant 5.000000e-03 : f32
      %mul3A_102 = vector.broadcast %mul3A_101 : f32 to vector<16xf32>
      %mul3A_103 = arith.mulf %scan3A_76#5, %mul3A_102 : vector<16xf32>
      %swap3A_104 = arith.index_cast %mul3A_50 : i32 to index
      %swap3A_105 = arith.constant 80 : index
      %swap3A_106 = tpu.vector_load %arg8[%swap3A_104, %swap3A_105] {strides = array<i32>} : memref<128x128xf32, #tpu.memory_space<vmem>>, vector<1x16xf32>,
      %swap3A_107 = vector.shape_cast %swap3A_106 : vector<1x16xf32> to vector<16xf32>
      %swap3A_108 = vector.shape_cast %mul3A_103 : vector<16xf32> to vector<1x16xf32>
      tpu.vector_store %arg8[%swap3A_104, %swap3A_105], %swap3A_108 {strides = array<i32>} : memref<128x128xf32, #tpu.memory_space<vmem>>, vector<1x16xf32>,
      %mul3A_109 = arith.constant 5.000000e-03 : f32
      %mul3A_110 = vector.broadcast %mul3A_109 : f32 to vector<16xf32>
      %mul3A_111 = arith.mulf %scan3A_76#2, %mul3A_110 : vector<16xf32>
      %swap3A_112 = arith.index_cast %mul3A_50 : i32 to index
      %swap3A_113 = arith.constant 32 : index
      %swap3A_114 = tpu.vector_load %arg8[%swap3A_112, %swap3A_113] {strides = array<i32>} : memref<128x128xf32, #tpu.memory_space<vmem>>, vector<1x16xf32>,
      %swap3A_115 = vector.shape_cast %swap3A_114 : vector<1x16xf32> to vector<16xf32>
      %swap3A_116 = vector.shape_cast %mul3A_111 : vector<16xf32> to vector<1x16xf32>
      tpu.vector_store %arg8[%swap3A_112, %swap3A_113], %swap3A_116 {strides = array<i32>} : memref<128x128xf32, #tpu.memory_space<vmem>>, vector<1x16xf32>,
      %mul3A_117 = arith.constant 5.000000e-03 : f32
      %mul3A_118 = vector.broadcast %mul3A_117 : f32 to vector<16xf32>
      %mul3A_119 = arith.mulf %scan3A_76#6, %mul3A_118 : vector<16xf32>
      %swap3A_120 = arith.index_cast %mul3A_50 : i32 to index
      %swap3A_121 = arith.constant 96 : index
      %swap3A_122 = tpu.vector_load %arg8[%swap3A_120, %swap3A_121] {strides = array<i32>} : memref<128x128xf32, #tpu.memory_space<vmem>>, vector<1x16xf32>,
      %swap3A_123 = vector.shape_cast %swap3A_122 : vector<1x16xf32> to vector<16xf32>
      %swap3A_124 = vector.shape_cast %mul3A_119 : vector<16xf32> to vector<1x16xf32>
      tpu.vector_store %arg8[%swap3A_120, %swap3A_121], %swap3A_124 {strides = array<i32>} : memref<128x128xf32, #tpu.memory_space<vmem>>, vector<1x16xf32>,
      %mul3A_125 = arith.constant 5.000000e-03 : f32
      %mul3A_126 = vector.broadcast %mul3A_125 : f32 to vector<16xf32>
      %mul3A_127 = arith.mulf %scan3A_76#3, %mul3A_126 : vector<16xf32>
      %swap3A_128 = arith.index_cast %mul3A_50 : i32 to index
      %swap3A_129 = arith.constant 48 : index
      %swap3A_130 = tpu.vector_load %arg8[%swap3A_128, %swap3A_129] {strides = array<i32>} : memref<128x128xf32, #tpu.memory_space<vmem>>, vector<1x16xf32>,
      %swap3A_131 = vector.shape_cast %swap3A_130 : vector<1x16xf32> to vector<16xf32>
      %swap3A_132 = vector.shape_cast %mul3A_127 : vector<16xf32> to vector<1x16xf32>
      tpu.vector_store %arg8[%swap3A_128, %swap3A_129], %swap3A_132 {strides = array<i32>} : memref<128x128xf32, #tpu.memory_space<vmem>>, vector<1x16xf32>,
      %mul3A_133 = arith.constant 5.000000e-03 : f32
      %mul3A_134 = vector.broadcast %mul3A_133 : f32 to vector<16xf32>
      %mul3A_135 = arith.mulf %scan3A_76#7, %mul3A_134 : vector<16xf32>
      %swap3A_136 = arith.index_cast %mul3A_50 : i32 to index
      %swap3A_137 = arith.constant 112 : index
      %swap3A_138 = tpu.vector_load %arg8[%swap3A_136, %swap3A_137] {strides = array<i32>} : memref<128x128xf32, #tpu.memory_space<vmem>>, vector<1x16xf32>,
      %swap3A_139 = vector.shape_cast %swap3A_138 : vector<1x16xf32> to vector<16xf32>
      %swap3A_140 = vector.shape_cast %mul3A_135 : vector<16xf32> to vector<1x16xf32>
      tpu.vector_store %arg8[%swap3A_136, %swap3A_137], %swap3A_140 {strides = array<i32>} : memref<128x128xf32, #tpu.memory_space<vmem>>, vector<1x16xf32>,
      %add3A_141 = arith.constant 2 : i32
      %add3A_142 = arith.addi %mul3A_50, %add3A_141 : i32
      %lt3A = arith.constant 128 : i32
      %lt3A_143 = arith.cmpi slt, %add3A_142, %lt3A : i32
      %convert_element_type3A = arith.extui %lt3A_143 : i1 to i32
      %cond3A = arith.constant 0 : i32
      %cond3A_144 = arith.cmpi ne, %convert_element_type3A, %cond3A : i32
      scf.if %cond3A_144 {
        %add3A_246 = arith.constant 2 : i32
        %add3A_247 = arith.addi %mul3A_50, %add3A_246 : i32
        %mul3A_248 = arith.constant 200 : i32
        %mul3A_249 = arith.muli %add3A_247, %mul3A_248 : i32
        %dma_start3A_250 = arith.constant 0 : i32
        %dma_start3A_251 = arith.constant 0 : i32
        %dma_start3A_252 = tpu.memref_slice %arg6[%dma_start3A_250, %dma_start3A_251] : memref<200x64xf32, #tpu.memory_space<vmem>> -> memref<104x64xf32, #tpu.memory_space<vmem>>
        %dma_start3A_253 = tpu.memref_slice %arg5[%mul3A_249] : memref<25600xi32, #tpu.memory_space<vmem>> -> memref<104xi32, #tpu.memory_space<vmem>>
        %dma_start3A_254 = arith.constant 0 : i32
        %dma_start3A_255 = arith.constant 0 : i32
        %dma_start3A_256 = tpu.memref_slice %arg2[%dma_start3A_254, %dma_start3A_255] : memref<100000x64xf32, #tpu.memory_space<hbm>> -> memref<100000x64xf32, #tpu.memory_space<hbm>>
        tpu.enqueue_indirect_dma source(%dma_start3A_256 : memref<100000x64xf32, #tpu.memory_space<hbm>>) target(%dma_start3A_252 : memref<104x64xf32, #tpu.memory_space<vmem>>) offsets(%dma_start3A_253 : memref<104xi32, #tpu.memory_space<vmem>>) semaphore(%arg9 : memref<!tpu.dma_semaphore, #tpu.memory_space<semaphore_mem>>)
        %mul3A_257 = arith.constant 200 : i32
        %mul3A_258 = arith.muli %add3A_247, %mul3A_257 : i32
        %add3A_259 = arith.constant 104 : i32
        %add3A_260 = arith.addi %mul3A_258, %add3A_259 : i32
        %dma_start3A_261 = arith.constant 104 : i32
        %dma_start3A_262 = arith.constant 0 : i32
        %dma_start3A_263 = tpu.memref_slice %arg6[%dma_start3A_261, %dma_start3A_262] : memref<200x64xf32, #tpu.memory_space<vmem>> -> memref<96x64xf32, #tpu.memory_space<vmem>>
        %dma_start3A_264 = tpu.memref_slice %arg5[%add3A_260] : memref<25600xi32, #tpu.memory_space<vmem>> -> memref<96xi32, #tpu.memory_space<vmem>>
        %dma_start3A_265 = arith.constant 0 : i32
        %dma_start3A_266 = arith.constant 0 : i32
        %dma_start3A_267 = tpu.memref_slice %arg2[%dma_start3A_265, %dma_start3A_266] : memref<100000x64xf32, #tpu.memory_space<hbm>> -> memref<100000x64xf32, #tpu.memory_space<hbm>>
        tpu.enqueue_indirect_dma source(%dma_start3A_267 : memref<100000x64xf32, #tpu.memory_space<hbm>>) target(%dma_start3A_263 : memref<96x64xf32, #tpu.memory_space<vmem>>) offsets(%dma_start3A_264 : memref<96xi32, #tpu.memory_space<vmem>>) semaphore(%arg9 : memref<!tpu.dma_semaphore, #tpu.memory_space<semaphore_mem>>)
      } else {
      }
      %dma_wait3A_145 = arith.constant 0 : i32
      %dma_wait3A_146 = arith.constant 0 : i32
      %dma_wait3A_147 = tpu.memref_slice %arg2[%dma_wait3A_145, %dma_wait3A_146] : memref<100000x64xf32, #tpu.memory_space<hbm>> -> memref<200x64xf32, #tpu.memory_space<hbm>>
      %dma_wait3A_148 = arith.constant 0 : i32
      %dma_wait3A_149 = arith.constant 0 : i32
      %dma_wait3A_150 = tpu.memref_slice %arg2[%dma_wait3A_148, %dma_wait3A_149] : memref<100000x64xf32, #tpu.memory_space<hbm>> -> memref<200x64xf32, #tpu.memory_space<hbm>>
      tpu.wait_dma2 semaphore(%arg10 : memref<!tpu.dma_semaphore, #tpu.memory_space<semaphore_mem>>) src(%dma_wait3A_150 : memref<200x64xf32, #tpu.memory_space<hbm>>) dst(%arg7 : memref<200x64xf32, #tpu.memory_space<vmem>>)
      %add3A_151 = arith.constant 1 : i32
      %add3A_152 = arith.addi %mul3A_50, %add3A_151 : i32
      %broadcast_in_dim3A_153 = arith.constant 0.000000e+00 : f32
      %broadcast_in_dim3A_154 = vector.broadcast %broadcast_in_dim3A_153 : f32 to vector<16xf32>
      %broadcast_in_dim3A_155 = arith.constant 0.000000e+00 : f32
      %broadcast_in_dim3A_156 = vector.broadcast %broadcast_in_dim3A_155 : f32 to vector<16xf32>
      %broadcast_in_dim3A_157 = arith.constant 0.000000e+00 : f32
      %broadcast_in_dim3A_158 = vector.broadcast %broadcast_in_dim3A_157 : f32 to vector<16xf32>
      %broadcast_in_dim3A_159 = arith.constant 0.000000e+00 : f32
      %broadcast_in_dim3A_160 = vector.broadcast %broadcast_in_dim3A_159 : f32 to vector<16xf32>
      %broadcast_in_dim3A_161 = arith.constant 0.000000e+00 : f32
      %broadcast_in_dim3A_162 = vector.broadcast %broadcast_in_dim3A_161 : f32 to vector<16xf32>
      %broadcast_in_dim3A_163 = arith.constant 0.000000e+00 : f32
      %broadcast_in_dim3A_164 = vector.broadcast %broadcast_in_dim3A_163 : f32 to vector<16xf32>
      %broadcast_in_dim3A_165 = arith.constant 0.000000e+00 : f32
      %broadcast_in_dim3A_166 = vector.broadcast %broadcast_in_dim3A_165 : f32 to vector<16xf32>
      %broadcast_in_dim3A_167 = arith.constant 0.000000e+00 : f32
      %broadcast_in_dim3A_168 = vector.broadcast %broadcast_in_dim3A_167 : f32 to vector<16xf32>
      %scan3A_169 = arith.constant 0 : i32
      %scan3A_170 = arith.constant 100 : i32
      %scan3A_171 = arith.addi %scan3A_169, %scan3A_170 : i32
      %scan3A_172 = arith.constant 1 : i32
      %scan3A_173:8 = scf.for %scan3A_246 = %scan3A_169 to %scan3A_171 step %scan3A_172 iter_args(%scan3A_247 = %broadcast_in_dim3A_154, %scan3A_248 = %broadcast_in_dim3A_156, %scan3A_249 = %broadcast_in_dim3A_158, %scan3A_250 = %broadcast_in_dim3A_160, %scan3A_251 = %broadcast_in_dim3A_162, %scan3A_252 = %broadcast_in_dim3A_164, %scan3A_253 = %broadcast_in_dim3A_166, %scan3A_254 = %broadcast_in_dim3A_168) -> (vector<16xf32>, vector<16xf32>, vector<16xf32>, vector<16xf32>, vector<16xf32>, vector<16xf32>, vector<16xf32>, vector<16xf32>)  : i32 {
        %mul3A_255 = arith.constant 2 : i32
        %mul3A_256 = arith.muli %scan3A_246, %mul3A_255 : i32
        %get3A = arith.index_cast %mul3A_256 : i32 to index
        %get3A_257 = arith.constant 0 : index
        %get3A_258 = tpu.vector_load %arg7[%get3A, %get3A_257] {strides = array<i32>} : memref<200x64xf32, #tpu.memory_space<vmem>>, vector<1x16xf32>,
        %get3A_259 = vector.shape_cast %get3A_258 : vector<1x16xf32> to vector<16xf32>
        %bitcast_convert_type3A = tpu.bitcast %get3A_259 : vector<16xf32> -> vector<16xi32>
        %and3A = arith.andi %bitcast_convert_type3A, %broadcast_in_dim3A_10 : vector<16xi32>
        %bitcast_convert_type3A_260 = tpu.bitcast %and3A : vector<16xi32> -> vector<16xf32>
        %shift_left3A = arith.constant 16 : i32
        %shift_left3A_261 = vector.broadcast %shift_left3A : i32 to vector<16xi32>
        %shift_left3A_262 = arith.shli %bitcast_convert_type3A, %shift_left3A_261 : vector<16xi32>
        %bitcast_convert_type3A_263 = tpu.bitcast %shift_left3A_262 : vector<16xi32> -> vector<16xf32>
        %add3A_264 = arith.addf %scan3A_247, %bitcast_convert_type3A_260 : vector<16xf32>
        %add3A_265 = arith.addf %scan3A_251, %bitcast_convert_type3A_263 : vector<16xf32>
        %get3A_266 = arith.index_cast %mul3A_256 : i32 to index
        %get3A_267 = arith.constant 16 : index
        %get3A_268 = tpu.vector_load %arg7[%get3A_266, %get3A_267] {strides = array<i32>} : memref<200x64xf32, #tpu.memory_space<vmem>>, vector<1x16xf32>,
        %get3A_269 = vector.shape_cast %get3A_268 : vector<1x16xf32> to vector<16xf32>
        %bitcast_convert_type3A_270 = tpu.bitcast %get3A_269 : vector<16xf32> -> vector<16xi32>
        %and3A_271 = arith.andi %bitcast_convert_type3A_270, %broadcast_in_dim3A_10 : vector<16xi32>
        %bitcast_convert_type3A_272 = tpu.bitcast %and3A_271 : vector<16xi32> -> vector<16xf32>
        %shift_left3A_273 = arith.constant 16 : i32
        %shift_left3A_274 = vector.broadcast %shift_left3A_273 : i32 to vector<16xi32>
        %shift_left3A_275 = arith.shli %bitcast_convert_type3A_270, %shift_left3A_274 : vector<16xi32>
        %bitcast_convert_type3A_276 = tpu.bitcast %shift_left3A_275 : vector<16xi32> -> vector<16xf32>
        %add3A_277 = arith.addf %scan3A_248, %bitcast_convert_type3A_272 : vector<16xf32>
        %add3A_278 = arith.addf %scan3A_252, %bitcast_convert_type3A_276 : vector<16xf32>
        %get3A_279 = arith.index_cast %mul3A_256 : i32 to index
        %get3A_280 = arith.constant 32 : index
        %get3A_281 = tpu.vector_load %arg7[%get3A_279, %get3A_280] {strides = array<i32>} : memref<200x64xf32, #tpu.memory_space<vmem>>, vector<1x16xf32>,
        %get3A_282 = vector.shape_cast %get3A_281 : vector<1x16xf32> to vector<16xf32>
        %bitcast_convert_type3A_283 = tpu.bitcast %get3A_282 : vector<16xf32> -> vector<16xi32>
        %and3A_284 = arith.andi %bitcast_convert_type3A_283, %broadcast_in_dim3A_10 : vector<16xi32>
        %bitcast_convert_type3A_285 = tpu.bitcast %and3A_284 : vector<16xi32> -> vector<16xf32>
        %shift_left3A_286 = arith.constant 16 : i32
        %shift_left3A_287 = vector.broadcast %shift_left3A_286 : i32 to vector<16xi32>
        %shift_left3A_288 = arith.shli %bitcast_convert_type3A_283, %shift_left3A_287 : vector<16xi32>
        %bitcast_convert_type3A_289 = tpu.bitcast %shift_left3A_288 : vector<16xi32> -> vector<16xf32>
        %add3A_290 = arith.addf %scan3A_249, %bitcast_convert_type3A_285 : vector<16xf32>
        %add3A_291 = arith.addf %scan3A_253, %bitcast_convert_type3A_289 : vector<16xf32>
        %get3A_292 = arith.index_cast %mul3A_256 : i32 to index
        %get3A_293 = arith.constant 48 : index
        %get3A_294 = tpu.vector_load %arg7[%get3A_292, %get3A_293] {strides = array<i32>} : memref<200x64xf32, #tpu.memory_space<vmem>>, vector<1x16xf32>,
        %get3A_295 = vector.shape_cast %get3A_294 : vector<1x16xf32> to vector<16xf32>
        %bitcast_convert_type3A_296 = tpu.bitcast %get3A_295 : vector<16xf32> -> vector<16xi32>
        %and3A_297 = arith.andi %bitcast_convert_type3A_296, %broadcast_in_dim3A_10 : vector<16xi32>
        %bitcast_convert_type3A_298 = tpu.bitcast %and3A_297 : vector<16xi32> -> vector<16xf32>
        %shift_left3A_299 = arith.constant 16 : i32
        %shift_left3A_300 = vector.broadcast %shift_left3A_299 : i32 to vector<16xi32>
        %shift_left3A_301 = arith.shli %bitcast_convert_type3A_296, %shift_left3A_300 : vector<16xi32>
        %bitcast_convert_type3A_302 = tpu.bitcast %shift_left3A_301 : vector<16xi32> -> vector<16xf32>
        %add3A_303 = arith.addf %scan3A_250, %bitcast_convert_type3A_298 : vector<16xf32>
        %add3A_304 = arith.addf %scan3A_254, %bitcast_convert_type3A_302 : vector<16xf32>
        %mul3A_305 = arith.constant 2 : i32
        %mul3A_306 = arith.muli %scan3A_246, %mul3A_305 : i32
        %add3A_307 = arith.constant 1 : i32
        %add3A_308 = arith.addi %mul3A_306, %add3A_307 : i32
        %get3A_309 = arith.index_cast %add3A_308 : i32 to index
        %get3A_310 = arith.constant 0 : index
        %get3A_311 = tpu.vector_load %arg7[%get3A_309, %get3A_310] {strides = array<i32>} : memref<200x64xf32, #tpu.memory_space<vmem>>, vector<1x16xf32>,
        %get3A_312 = vector.shape_cast %get3A_311 : vector<1x16xf32> to vector<16xf32>
        %bitcast_convert_type3A_313 = tpu.bitcast %get3A_312 : vector<16xf32> -> vector<16xi32>
        %and3A_314 = arith.andi %bitcast_convert_type3A_313, %broadcast_in_dim3A_10 : vector<16xi32>
        %bitcast_convert_type3A_315 = tpu.bitcast %and3A_314 : vector<16xi32> -> vector<16xf32>
        %shift_left3A_316 = arith.constant 16 : i32
        %shift_left3A_317 = vector.broadcast %shift_left3A_316 : i32 to vector<16xi32>
        %shift_left3A_318 = arith.shli %bitcast_convert_type3A_313, %shift_left3A_317 : vector<16xi32>
        %bitcast_convert_type3A_319 = tpu.bitcast %shift_left3A_318 : vector<16xi32> -> vector<16xf32>
        %add3A_320 = arith.addf %add3A_264, %bitcast_convert_type3A_315 : vector<16xf32>
        %add3A_321 = arith.addf %add3A_265, %bitcast_convert_type3A_319 : vector<16xf32>
        %get3A_322 = arith.index_cast %add3A_308 : i32 to index
        %get3A_323 = arith.constant 16 : index
        %get3A_324 = tpu.vector_load %arg7[%get3A_322, %get3A_323] {strides = array<i32>} : memref<200x64xf32, #tpu.memory_space<vmem>>, vector<1x16xf32>,
        %get3A_325 = vector.shape_cast %get3A_324 : vector<1x16xf32> to vector<16xf32>
        %bitcast_convert_type3A_326 = tpu.bitcast %get3A_325 : vector<16xf32> -> vector<16xi32>
        %and3A_327 = arith.andi %bitcast_convert_type3A_326, %broadcast_in_dim3A_10 : vector<16xi32>
        %bitcast_convert_type3A_328 = tpu.bitcast %and3A_327 : vector<16xi32> -> vector<16xf32>
        %shift_left3A_329 = arith.constant 16 : i32
        %shift_left3A_330 = vector.broadcast %shift_left3A_329 : i32 to vector<16xi32>
        %shift_left3A_331 = arith.shli %bitcast_convert_type3A_326, %shift_left3A_330 : vector<16xi32>
        %bitcast_convert_type3A_332 = tpu.bitcast %shift_left3A_331 : vector<16xi32> -> vector<16xf32>
        %add3A_333 = arith.addf %add3A_277, %bitcast_convert_type3A_328 : vector<16xf32>
        %add3A_334 = arith.addf %add3A_278, %bitcast_convert_type3A_332 : vector<16xf32>
        %get3A_335 = arith.index_cast %add3A_308 : i32 to index
        %get3A_336 = arith.constant 32 : index
        %get3A_337 = tpu.vector_load %arg7[%get3A_335, %get3A_336] {strides = array<i32>} : memref<200x64xf32, #tpu.memory_space<vmem>>, vector<1x16xf32>,
        %get3A_338 = vector.shape_cast %get3A_337 : vector<1x16xf32> to vector<16xf32>
        %bitcast_convert_type3A_339 = tpu.bitcast %get3A_338 : vector<16xf32> -> vector<16xi32>
        %and3A_340 = arith.andi %bitcast_convert_type3A_339, %broadcast_in_dim3A_10 : vector<16xi32>
        %bitcast_convert_type3A_341 = tpu.bitcast %and3A_340 : vector<16xi32> -> vector<16xf32>
        %shift_left3A_342 = arith.constant 16 : i32
        %shift_left3A_343 = vector.broadcast %shift_left3A_342 : i32 to vector<16xi32>
        %shift_left3A_344 = arith.shli %bitcast_convert_type3A_339, %shift_left3A_343 : vector<16xi32>
        %bitcast_convert_type3A_345 = tpu.bitcast %shift_left3A_344 : vector<16xi32> -> vector<16xf32>
        %add3A_346 = arith.addf %add3A_290, %bitcast_convert_type3A_341 : vector<16xf32>
        %add3A_347 = arith.addf %add3A_291, %bitcast_convert_type3A_345 : vector<16xf32>
        %get3A_348 = arith.index_cast %add3A_308 : i32 to index
        %get3A_349 = arith.constant 48 : index
        %get3A_350 = tpu.vector_load %arg7[%get3A_348, %get3A_349] {strides = array<i32>} : memref<200x64xf32, #tpu.memory_space<vmem>>, vector<1x16xf32>,
        %get3A_351 = vector.shape_cast %get3A_350 : vector<1x16xf32> to vector<16xf32>
        %bitcast_convert_type3A_352 = tpu.bitcast %get3A_351 : vector<16xf32> -> vector<16xi32>
        %and3A_353 = arith.andi %bitcast_convert_type3A_352, %broadcast_in_dim3A_10 : vector<16xi32>
        %bitcast_convert_type3A_354 = tpu.bitcast %and3A_353 : vector<16xi32> -> vector<16xf32>
        %shift_left3A_355 = arith.constant 16 : i32
        %shift_left3A_356 = vector.broadcast %shift_left3A_355 : i32 to vector<16xi32>
        %shift_left3A_357 = arith.shli %bitcast_convert_type3A_352, %shift_left3A_356 : vector<16xi32>
        %bitcast_convert_type3A_358 = tpu.bitcast %shift_left3A_357 : vector<16xi32> -> vector<16xf32>
        %add3A_359 = arith.addf %add3A_303, %bitcast_convert_type3A_354 : vector<16xf32>
        %add3A_360 = arith.addf %add3A_304, %bitcast_convert_type3A_358 : vector<16xf32>
        scf.yield %add3A_320, %add3A_333, %add3A_346, %add3A_359, %add3A_321, %add3A_334, %add3A_347, %add3A_360 : vector<16xf32>, vector<16xf32>, vector<16xf32>, vector<16xf32>, vector<16xf32>, vector<16xf32>, vector<16xf32>, vector<16xf32>
      }
      %scan3A_174 = arith.constant 100 : i32
      %mul3A_175 = arith.constant 5.000000e-03 : f32
      %mul3A_176 = vector.broadcast %mul3A_175 : f32 to vector<16xf32>
      %mul3A_177 = arith.mulf %scan3A_173#0, %mul3A_176 : vector<16xf32>
      %swap3A_178 = arith.index_cast %add3A_152 : i32 to index
      %swap3A_179 = arith.constant 0 : index
      %swap3A_180 = tpu.vector_load %arg8[%swap3A_178, %swap3A_179] {strides = array<i32>} : memref<128x128xf32, #tpu.memory_space<vmem>>, vector<1x16xf32>,
      %swap3A_181 = vector.shape_cast %swap3A_180 : vector<1x16xf32> to vector<16xf32>
      %swap3A_182 = vector.shape_cast %mul3A_177 : vector<16xf32> to vector<1x16xf32>
      tpu.vector_store %arg8[%swap3A_178, %swap3A_179], %swap3A_182 {strides = array<i32>} : memref<128x128xf32, #tpu.memory_space<vmem>>, vector<1x16xf32>,
      %mul3A_183 = arith.constant 5.000000e-03 : f32
      %mul3A_184 = vector.broadcast %mul3A_183 : f32 to vector<16xf32>
      %mul3A_185 = arith.mulf %scan3A_173#4, %mul3A_184 : vector<16xf32>
      %swap3A_186 = arith.index_cast %add3A_152 : i32 to index
      %swap3A_187 = arith.constant 64 : index
      %swap3A_188 = tpu.vector_load %arg8[%swap3A_186, %swap3A_187] {strides = array<i32>} : memref<128x128xf32, #tpu.memory_space<vmem>>, vector<1x16xf32>,
      %swap3A_189 = vector.shape_cast %swap3A_188 : vector<1x16xf32> to vector<16xf32>
      %swap3A_190 = vector.shape_cast %mul3A_185 : vector<16xf32> to vector<1x16xf32>
      tpu.vector_store %arg8[%swap3A_186, %swap3A_187], %swap3A_190 {strides = array<i32>} : memref<128x128xf32, #tpu.memory_space<vmem>>, vector<1x16xf32>,
      %mul3A_191 = arith.constant 5.000000e-03 : f32
      %mul3A_192 = vector.broadcast %mul3A_191 : f32 to vector<16xf32>
      %mul3A_193 = arith.mulf %scan3A_173#1, %mul3A_192 : vector<16xf32>
      %swap3A_194 = arith.index_cast %add3A_152 : i32 to index
      %swap3A_195 = arith.constant 16 : index
      %swap3A_196 = tpu.vector_load %arg8[%swap3A_194, %swap3A_195] {strides = array<i32>} : memref<128x128xf32, #tpu.memory_space<vmem>>, vector<1x16xf32>,
      %swap3A_197 = vector.shape_cast %swap3A_196 : vector<1x16xf32> to vector<16xf32>
      %swap3A_198 = vector.shape_cast %mul3A_193 : vector<16xf32> to vector<1x16xf32>
      tpu.vector_store %arg8[%swap3A_194, %swap3A_195], %swap3A_198 {strides = array<i32>} : memref<128x128xf32, #tpu.memory_space<vmem>>, vector<1x16xf32>,
      %mul3A_199 = arith.constant 5.000000e-03 : f32
      %mul3A_200 = vector.broadcast %mul3A_199 : f32 to vector<16xf32>
      %mul3A_201 = arith.mulf %scan3A_173#5, %mul3A_200 : vector<16xf32>
      %swap3A_202 = arith.index_cast %add3A_152 : i32 to index
      %swap3A_203 = arith.constant 80 : index
      %swap3A_204 = tpu.vector_load %arg8[%swap3A_202, %swap3A_203] {strides = array<i32>} : memref<128x128xf32, #tpu.memory_space<vmem>>, vector<1x16xf32>,
      %swap3A_205 = vector.shape_cast %swap3A_204 : vector<1x16xf32> to vector<16xf32>
      %swap3A_206 = vector.shape_cast %mul3A_201 : vector<16xf32> to vector<1x16xf32>
      tpu.vector_store %arg8[%swap3A_202, %swap3A_203], %swap3A_206 {strides = array<i32>} : memref<128x128xf32, #tpu.memory_space<vmem>>, vector<1x16xf32>,
      %mul3A_207 = arith.constant 5.000000e-03 : f32
      %mul3A_208 = vector.broadcast %mul3A_207 : f32 to vector<16xf32>
      %mul3A_209 = arith.mulf %scan3A_173#2, %mul3A_208 : vector<16xf32>
      %swap3A_210 = arith.index_cast %add3A_152 : i32 to index
      %swap3A_211 = arith.constant 32 : index
      %swap3A_212 = tpu.vector_load %arg8[%swap3A_210, %swap3A_211] {strides = array<i32>} : memref<128x128xf32, #tpu.memory_space<vmem>>, vector<1x16xf32>,
      %swap3A_213 = vector.shape_cast %swap3A_212 : vector<1x16xf32> to vector<16xf32>
      %swap3A_214 = vector.shape_cast %mul3A_209 : vector<16xf32> to vector<1x16xf32>
      tpu.vector_store %arg8[%swap3A_210, %swap3A_211], %swap3A_214 {strides = array<i32>} : memref<128x128xf32, #tpu.memory_space<vmem>>, vector<1x16xf32>,
      %mul3A_215 = arith.constant 5.000000e-03 : f32
      %mul3A_216 = vector.broadcast %mul3A_215 : f32 to vector<16xf32>
      %mul3A_217 = arith.mulf %scan3A_173#6, %mul3A_216 : vector<16xf32>
      %swap3A_218 = arith.index_cast %add3A_152 : i32 to index
      %swap3A_219 = arith.constant 96 : index
      %swap3A_220 = tpu.vector_load %arg8[%swap3A_218, %swap3A_219] {strides = array<i32>} : memref<128x128xf32, #tpu.memory_space<vmem>>, vector<1x16xf32>,
      %swap3A_221 = vector.shape_cast %swap3A_220 : vector<1x16xf32> to vector<16xf32>
      %swap3A_222 = vector.shape_cast %mul3A_217 : vector<16xf32> to vector<1x16xf32>
      tpu.vector_store %arg8[%swap3A_218, %swap3A_219], %swap3A_222 {strides = array<i32>} : memref<128x128xf32, #tpu.memory_space<vmem>>, vector<1x16xf32>,
      %mul3A_223 = arith.constant 5.000000e-03 : f32
      %mul3A_224 = vector.broadcast %mul3A_223 : f32 to vector<16xf32>
      %mul3A_225 = arith.mulf %scan3A_173#3, %mul3A_224 : vector<16xf32>
      %swap3A_226 = arith.index_cast %add3A_152 : i32 to index
      %swap3A_227 = arith.constant 48 : index
      %swap3A_228 = tpu.vector_load %arg8[%swap3A_226, %swap3A_227] {strides = array<i32>} : memref<128x128xf32, #tpu.memory_space<vmem>>, vector<1x16xf32>,
      %swap3A_229 = vector.shape_cast %swap3A_228 : vector<1x16xf32> to vector<16xf32>
      %swap3A_230 = vector.shape_cast %mul3A_225 : vector<16xf32> to vector<1x16xf32>
      tpu.vector_store %arg8[%swap3A_226, %swap3A_227], %swap3A_230 {strides = array<i32>} : memref<128x128xf32, #tpu.memory_space<vmem>>, vector<1x16xf32>,
      %mul3A_231 = arith.constant 5.000000e-03 : f32
      %mul3A_232 = vector.broadcast %mul3A_231 : f32 to vector<16xf32>
      %mul3A_233 = arith.mulf %scan3A_173#7, %mul3A_232 : vector<16xf32>
      %swap3A_234 = arith.index_cast %add3A_152 : i32 to index
      %swap3A_235 = arith.constant 112 : index
      %swap3A_236 = tpu.vector_load %arg8[%swap3A_234, %swap3A_235] {strides = array<i32>} : memref<128x128xf32, #tpu.memory_space<vmem>>, vector<1x16xf32>,
      %swap3A_237 = vector.shape_cast %swap3A_236 : vector<1x16xf32> to vector<16xf32>
      %swap3A_238 = vector.shape_cast %mul3A_233 : vector<16xf32> to vector<1x16xf32>
      tpu.vector_store %arg8[%swap3A_234, %swap3A_235], %swap3A_238 {strides = array<i32>} : memref<128x128xf32, #tpu.memory_space<vmem>>, vector<1x16xf32>,
      %add3A_239 = arith.constant 3 : i32
      %add3A_240 = arith.addi %mul3A_50, %add3A_239 : i32
      %lt3A_241 = arith.constant 128 : i32
      %lt3A_242 = arith.cmpi slt, %add3A_240, %lt3A_241 : i32
      %convert_element_type3A_243 = arith.extui %lt3A_242 : i1 to i32
      %cond3A_244 = arith.constant 0 : i32
      %cond3A_245 = arith.cmpi ne, %convert_element_type3A_243, %cond3A_244 : i32
      scf.if %cond3A_245 {
        %add3A_246 = arith.constant 3 : i32
        %add3A_247 = arith.addi %mul3A_50, %add3A_246 : i32
        %mul3A_248 = arith.constant 200 : i32
        %mul3A_249 = arith.muli %add3A_247, %mul3A_248 : i32
        %dma_start3A_250 = arith.constant 0 : i32
        %dma_start3A_251 = arith.constant 0 : i32
        %dma_start3A_252 = tpu.memref_slice %arg7[%dma_start3A_250, %dma_start3A_251] : memref<200x64xf32, #tpu.memory_space<vmem>> -> memref<104x64xf32, #tpu.memory_space<vmem>>
        %dma_start3A_253 = tpu.memref_slice %arg5[%mul3A_249] : memref<25600xi32, #tpu.memory_space<vmem>> -> memref<104xi32, #tpu.memory_space<vmem>>
        %dma_start3A_254 = arith.constant 0 : i32
        %dma_start3A_255 = arith.constant 0 : i32
        %dma_start3A_256 = tpu.memref_slice %arg2[%dma_start3A_254, %dma_start3A_255] : memref<100000x64xf32, #tpu.memory_space<hbm>> -> memref<100000x64xf32, #tpu.memory_space<hbm>>
        tpu.enqueue_indirect_dma source(%dma_start3A_256 : memref<100000x64xf32, #tpu.memory_space<hbm>>) target(%dma_start3A_252 : memref<104x64xf32, #tpu.memory_space<vmem>>) offsets(%dma_start3A_253 : memref<104xi32, #tpu.memory_space<vmem>>) semaphore(%arg10 : memref<!tpu.dma_semaphore, #tpu.memory_space<semaphore_mem>>)
        %mul3A_257 = arith.constant 200 : i32
        %mul3A_258 = arith.muli %add3A_247, %mul3A_257 : i32
        %add3A_259 = arith.constant 104 : i32
        %add3A_260 = arith.addi %mul3A_258, %add3A_259 : i32
        %dma_start3A_261 = arith.constant 104 : i32
        %dma_start3A_262 = arith.constant 0 : i32
        %dma_start3A_263 = tpu.memref_slice %arg7[%dma_start3A_261, %dma_start3A_262] : memref<200x64xf32, #tpu.memory_space<vmem>> -> memref<96x64xf32, #tpu.memory_space<vmem>>
        %dma_start3A_264 = tpu.memref_slice %arg5[%add3A_260] : memref<25600xi32, #tpu.memory_space<vmem>> -> memref<96xi32, #tpu.memory_space<vmem>>
        %dma_start3A_265 = arith.constant 0 : i32
        %dma_start3A_266 = arith.constant 0 : i32
        %dma_start3A_267 = tpu.memref_slice %arg2[%dma_start3A_265, %dma_start3A_266] : memref<100000x64xf32, #tpu.memory_space<hbm>> -> memref<100000x64xf32, #tpu.memory_space<hbm>>
        tpu.enqueue_indirect_dma source(%dma_start3A_267 : memref<100000x64xf32, #tpu.memory_space<hbm>>) target(%dma_start3A_263 : memref<96x64xf32, #tpu.memory_space<vmem>>) offsets(%dma_start3A_264 : memref<96xi32, #tpu.memory_space<vmem>>) semaphore(%arg10 : memref<!tpu.dma_semaphore, #tpu.memory_space<semaphore_mem>>)
      } else {
      }
    }
    %scan3A_47 = arith.constant 64 : i32
    "tpu.region"() ({
      %run_scoped3A = tpu.sem_alloc : memref<!tpu.dma_semaphore, #tpu.memory_space<semaphore_mem>>
      %dma_start3A_48 = arith.constant 0 : i32
      %dma_start3A_49 = tpu.memref_slice %arg4[%mul3A_2, %dma_start3A_48] : memref<4096x128xf32, #tpu.memory_space<hbm>> -> memref<128x128xf32, #tpu.memory_space<hbm>>
      %dma_start3A_50 = arith.constant 0 : i32
      %dma_start3A_51 = tpu.memref_slice %arg4[%mul3A_2, %dma_start3A_50] : memref<4096x128xf32, #tpu.memory_space<hbm>> -> memref<128x128xf32, #tpu.memory_space<hbm>>
      tpu.enqueue_dma source(%arg8 : memref<128x128xf32, #tpu.memory_space<vmem>>) target(%dma_start3A_51 : memref<128x128xf32, #tpu.memory_space<hbm>>) target_semaphore(%run_scoped3A : memref<!tpu.dma_semaphore, #tpu.memory_space<semaphore_mem>>)
      %dma_wait3A = arith.constant 0 : i32
      %dma_wait3A_52 = tpu.memref_slice %arg4[%mul3A_2, %dma_wait3A] : memref<4096x128xf32, #tpu.memory_space<hbm>> -> memref<128x128xf32, #tpu.memory_space<hbm>>
      %dma_wait3A_53 = arith.constant 0 : i32
      %dma_wait3A_54 = tpu.memref_slice %arg4[%mul3A_2, %dma_wait3A_53] : memref<4096x128xf32, #tpu.memory_space<hbm>> -> memref<128x128xf32, #tpu.memory_space<hbm>>
      tpu.wait_dma2 semaphore(%run_scoped3A : memref<!tpu.dma_semaphore, #tpu.memory_space<semaphore_mem>>) src(%arg8 : memref<128x128xf32, #tpu.memory_space<vmem>>) dst(%dma_wait3A_54 : memref<128x128xf32, #tpu.memory_space<hbm>>)
      tpu.yield
    }) : () -> ()
    return
  }
}

module attributes {stable_mosaic.version = 14 : i64} {
  func.func @_table_body(%arg0: i32, %arg1: memref<2000x50xf32, #tpu.memory_space<vmem>>, %arg2: memref<2000x50xf32, #tpu.memory_space<vmem>>, %arg3: memref<2000x50xf32, #tpu.memory_space<vmem>>, %arg4: memref<2000x50xf32, #tpu.memory_space<vmem>>, %arg5: memref<2000x128xf32, #tpu.memory_space<vmem>>) attributes {dimension_semantics = [#tpu.dimension_semantics<arbitrary>], iteration_bounds = array<i64: 25>, scalar_prefetch = 0 : i64, scratch_operands = 0 : i64, tpu.core_type = #tpu.core_type<tc>, window_params = [{transform_indices = @transform_0, window_bounds = array<i64: 2000, 50>}, {transform_indices = @transform_1, window_bounds = array<i64: 2000, 50>}, {transform_indices = @transform_2, window_bounds = array<i64: 2000, 50>}, {transform_indices = @transform_3, window_bounds = array<i64: 2000, 50>}, {transform_indices = @transform_4, window_bounds = array<i64: 2000, 128>}]} {
    %get3A = arith.constant 0 : index
    %get3A_0 = arith.constant 0 : index
    %get3A_1 = vector.load %arg1[%get3A, %get3A_0] : memref<2000x50xf32, #tpu.memory_space<vmem>>, vector<2000x50xf32>
    %get3A_2 = arith.constant 0 : index
    %get3A_3 = arith.constant 0 : index
    %get3A_4 = vector.load %arg2[%get3A_2, %get3A_3] : memref<2000x50xf32, #tpu.memory_space<vmem>>, vector<2000x50xf32>
    %mul3A = arith.mulf %get3A_1, %get3A_1 : vector<2000x50xf32>
    %reduce_sum3A = arith.constant dense<0.000000e+00> : vector<2000xf32>
    %reduce_sum3A_5 = vector.multi_reduction <add>, %mul3A, %reduce_sum3A [1] : vector<2000x50xf32> to vector<2000xf32>
    %broadcast_in_dim3A = vector.shape_cast %reduce_sum3A_5 : vector<2000xf32> to vector<2000x1xf32>
    %gt3A = arith.constant 1.000000e-24 : f32
    %gt3A_6 = vector.broadcast %gt3A : f32 to vector<2000x1xf32>
    %gt3A_7 = arith.cmpf ogt, %broadcast_in_dim3A, %gt3A_6 : vector<2000x1xf32>
    %rsqrt3A = math.rsqrt %broadcast_in_dim3A : vector<2000x1xf32>
    %jit3A = arith.constant 9.99999995E+11 : f32
    %broadcast_in_dim3A_8 = vector.broadcast %jit3A : f32 to vector<2000x1xf32>
    %select_n3A = arith.select %gt3A_7, %rsqrt3A, %broadcast_in_dim3A_8 : vector<2000x1xi1>, vector<2000x1xf32>
    %mul3A_9 = vector.broadcast %select_n3A : vector<2000x1xf32> to vector<2000x50xf32>
    %mul3A_10 = arith.mulf %get3A_1, %mul3A_9 : vector<2000x50xf32>
    %mul3A_11 = arith.mulf %get3A_4, %get3A_4 : vector<2000x50xf32>
    %broadcast_in_dim3A_12 = arith.constant 1.7351891E-9 : f32
    %broadcast_in_dim3A_13 = vector.broadcast %broadcast_in_dim3A_12 : f32 to vector<2000x50xf32>
    %mul3A_14 = arith.mulf %broadcast_in_dim3A_13, %mul3A_11 : vector<2000x50xf32>
    %add3A = arith.constant -2.7108868E-7 : f32
    %add3A_15 = vector.broadcast %add3A : f32 to vector<2000x50xf32>
    %add3A_16 = arith.addf %mul3A_14, %add3A_15 : vector<2000x50xf32>
    %mul3A_17 = arith.mulf %add3A_16, %mul3A_11 : vector<2000x50xf32>
    %add3A_18 = arith.constant 2.47729877E-5 : f32
    %add3A_19 = vector.broadcast %add3A_18 : f32 to vector<2000x50xf32>
    %add3A_20 = arith.addf %mul3A_17, %add3A_19 : vector<2000x50xf32>
    %mul3A_21 = arith.mulf %add3A_20, %mul3A_11 : vector<2000x50xf32>
    %add3A_22 = arith.constant -0.00138879509 : f32
    %add3A_23 = vector.broadcast %add3A_22 : f32 to vector<2000x50xf32>
    %add3A_24 = arith.addf %mul3A_21, %add3A_23 : vector<2000x50xf32>
    %mul3A_25 = arith.mulf %add3A_24, %mul3A_11 : vector<2000x50xf32>
    %add3A_26 = arith.constant 0.0416665189 : f32
    %add3A_27 = vector.broadcast %add3A_26 : f32 to vector<2000x50xf32>
    %add3A_28 = arith.addf %mul3A_25, %add3A_27 : vector<2000x50xf32>
    %mul3A_29 = arith.mulf %add3A_28, %mul3A_11 : vector<2000x50xf32>
    %add3A_30 = arith.constant -0.499999911 : f32
    %add3A_31 = vector.broadcast %add3A_30 : f32 to vector<2000x50xf32>
    %add3A_32 = arith.addf %mul3A_29, %add3A_31 : vector<2000x50xf32>
    %mul3A_33 = arith.mulf %add3A_32, %mul3A_11 : vector<2000x50xf32>
    %add3A_34 = arith.constant 1.000000e+00 : f32
    %add3A_35 = vector.broadcast %add3A_34 : f32 to vector<2000x50xf32>
    %add3A_36 = arith.addf %mul3A_33, %add3A_35 : vector<2000x50xf32>
    %broadcast_in_dim3A_37 = arith.constant -2.08522906E-8 : f32
    %broadcast_in_dim3A_38 = vector.broadcast %broadcast_in_dim3A_37 : f32 to vector<2000x50xf32>
    %mul3A_39 = arith.mulf %broadcast_in_dim3A_38, %mul3A_11 : vector<2000x50xf32>
    %add3A_40 = arith.constant 2.71236763E-6 : f32
    %add3A_41 = vector.broadcast %add3A_40 : f32 to vector<2000x50xf32>
    %add3A_42 = arith.addf %mul3A_39, %add3A_41 : vector<2000x50xf32>
    %mul3A_43 = arith.mulf %add3A_42, %mul3A_11 : vector<2000x50xf32>
    %add3A_44 = arith.constant -1.98204405E-4 : f32
    %add3A_45 = vector.broadcast %add3A_44 : f32 to vector<2000x50xf32>
    %add3A_46 = arith.addf %mul3A_43, %add3A_45 : vector<2000x50xf32>
    %mul3A_47 = arith.mulf %add3A_46, %mul3A_11 : vector<2000x50xf32>
    %add3A_48 = arith.constant 0.00833288115 : f32
    %add3A_49 = vector.broadcast %add3A_48 : f32 to vector<2000x50xf32>
    %add3A_50 = arith.addf %mul3A_47, %add3A_49 : vector<2000x50xf32>
    %mul3A_51 = arith.mulf %add3A_50, %mul3A_11 : vector<2000x50xf32>
    %add3A_52 = arith.constant -0.166666314 : f32
    %add3A_53 = vector.broadcast %add3A_52 : f32 to vector<2000x50xf32>
    %add3A_54 = arith.addf %mul3A_51, %add3A_53 : vector<2000x50xf32>
    %mul3A_55 = arith.mulf %add3A_54, %mul3A_11 : vector<2000x50xf32>
    %add3A_56 = arith.constant 0.99999994 : f32
    %add3A_57 = vector.broadcast %add3A_56 : f32 to vector<2000x50xf32>
    %add3A_58 = arith.addf %mul3A_55, %add3A_57 : vector<2000x50xf32>
    %mul3A_59 = arith.mulf %get3A_4, %add3A_58 : vector<2000x50xf32>
    %mul3A_60 = arith.mulf %mul3A_10, %add3A_36 : vector<2000x50xf32>
    %mul3A_61 = arith.mulf %mul3A_10, %mul3A_59 : vector<2000x50xf32>
    %bitcast_convert_type3A = tpu.bitcast %mul3A_60 : vector<2000x50xf32> -> vector<2000x50xi32>
    %bitcast_convert_type3A_62 = tpu.bitcast %mul3A_61 : vector<2000x50xf32> -> vector<2000x50xi32>
    %add3A_63 = arith.constant 32768 : i32
    %add3A_64 = vector.broadcast %add3A_63 : i32 to vector<2000x50xi32>
    %add3A_65 = arith.addi %bitcast_convert_type3A, %add3A_64 : vector<2000x50xi32>
    %and3A = arith.constant -65536 : i32
    %and3A_66 = vector.broadcast %and3A : i32 to vector<2000x50xi32>
    %and3A_67 = arith.andi %add3A_65, %and3A_66 : vector<2000x50xi32>
    %add3A_68 = arith.constant 32768 : i32
    %add3A_69 = vector.broadcast %add3A_68 : i32 to vector<2000x50xi32>
    %add3A_70 = arith.addi %bitcast_convert_type3A_62, %add3A_69 : vector<2000x50xi32>
    %shift_right_logical3A = arith.constant 16 : i32
    %shift_right_logical3A_71 = vector.broadcast %shift_right_logical3A : i32 to vector<2000x50xi32>
    %shift_right_logical3A_72 = arith.shrui %add3A_70, %shift_right_logical3A_71 : vector<2000x50xi32>
    %or3A = arith.ori %and3A_67, %shift_right_logical3A_72 : vector<2000x50xi32>
    %bitcast_convert_type3A_73 = tpu.bitcast %or3A : vector<2000x50xi32> -> vector<2000x50xf32>
    %get3A_74 = arith.constant 0 : index
    %get3A_75 = arith.constant 0 : index
    %get3A_76 = vector.load %arg3[%get3A_74, %get3A_75] : memref<2000x50xf32, #tpu.memory_space<vmem>>, vector<2000x50xf32>
    %get3A_77 = arith.constant 0 : index
    %get3A_78 = arith.constant 0 : index
    %get3A_79 = vector.load %arg4[%get3A_77, %get3A_78] : memref<2000x50xf32, #tpu.memory_space<vmem>>, vector<2000x50xf32>
    %mul3A_80 = arith.mulf %get3A_76, %get3A_76 : vector<2000x50xf32>
    %reduce_sum3A_81 = arith.constant dense<0.000000e+00> : vector<2000xf32>
    %reduce_sum3A_82 = vector.multi_reduction <add>, %mul3A_80, %reduce_sum3A_81 [1] : vector<2000x50xf32> to vector<2000xf32>
    %broadcast_in_dim3A_83 = vector.shape_cast %reduce_sum3A_82 : vector<2000xf32> to vector<2000x1xf32>
    %gt3A_84 = arith.constant 1.000000e-24 : f32
    %gt3A_85 = vector.broadcast %gt3A_84 : f32 to vector<2000x1xf32>
    %gt3A_86 = arith.cmpf ogt, %broadcast_in_dim3A_83, %gt3A_85 : vector<2000x1xf32>
    %rsqrt3A_87 = math.rsqrt %broadcast_in_dim3A_83 : vector<2000x1xf32>
    %jit3A_88 = arith.constant 9.99999995E+11 : f32
    %broadcast_in_dim3A_89 = vector.broadcast %jit3A_88 : f32 to vector<2000x1xf32>
    %select_n3A_90 = arith.select %gt3A_86, %rsqrt3A_87, %broadcast_in_dim3A_89 : vector<2000x1xi1>, vector<2000x1xf32>
    %mul3A_91 = vector.broadcast %select_n3A_90 : vector<2000x1xf32> to vector<2000x50xf32>
    %mul3A_92 = arith.mulf %get3A_76, %mul3A_91 : vector<2000x50xf32>
    %mul3A_93 = arith.mulf %get3A_79, %get3A_79 : vector<2000x50xf32>
    %broadcast_in_dim3A_94 = arith.constant 1.7351891E-9 : f32
    %broadcast_in_dim3A_95 = vector.broadcast %broadcast_in_dim3A_94 : f32 to vector<2000x50xf32>
    %mul3A_96 = arith.mulf %broadcast_in_dim3A_95, %mul3A_93 : vector<2000x50xf32>
    %add3A_97 = arith.constant -2.7108868E-7 : f32
    %add3A_98 = vector.broadcast %add3A_97 : f32 to vector<2000x50xf32>
    %add3A_99 = arith.addf %mul3A_96, %add3A_98 : vector<2000x50xf32>
    %mul3A_100 = arith.mulf %add3A_99, %mul3A_93 : vector<2000x50xf32>
    %add3A_101 = arith.constant 2.47729877E-5 : f32
    %add3A_102 = vector.broadcast %add3A_101 : f32 to vector<2000x50xf32>
    %add3A_103 = arith.addf %mul3A_100, %add3A_102 : vector<2000x50xf32>
    %mul3A_104 = arith.mulf %add3A_103, %mul3A_93 : vector<2000x50xf32>
    %add3A_105 = arith.constant -0.00138879509 : f32
    %add3A_106 = vector.broadcast %add3A_105 : f32 to vector<2000x50xf32>
    %add3A_107 = arith.addf %mul3A_104, %add3A_106 : vector<2000x50xf32>
    %mul3A_108 = arith.mulf %add3A_107, %mul3A_93 : vector<2000x50xf32>
    %add3A_109 = arith.constant 0.0416665189 : f32
    %add3A_110 = vector.broadcast %add3A_109 : f32 to vector<2000x50xf32>
    %add3A_111 = arith.addf %mul3A_108, %add3A_110 : vector<2000x50xf32>
    %mul3A_112 = arith.mulf %add3A_111, %mul3A_93 : vector<2000x50xf32>
    %add3A_113 = arith.constant -0.499999911 : f32
    %add3A_114 = vector.broadcast %add3A_113 : f32 to vector<2000x50xf32>
    %add3A_115 = arith.addf %mul3A_112, %add3A_114 : vector<2000x50xf32>
    %mul3A_116 = arith.mulf %add3A_115, %mul3A_93 : vector<2000x50xf32>
    %add3A_117 = arith.constant 1.000000e+00 : f32
    %add3A_118 = vector.broadcast %add3A_117 : f32 to vector<2000x50xf32>
    %add3A_119 = arith.addf %mul3A_116, %add3A_118 : vector<2000x50xf32>
    %broadcast_in_dim3A_120 = arith.constant -2.08522906E-8 : f32
    %broadcast_in_dim3A_121 = vector.broadcast %broadcast_in_dim3A_120 : f32 to vector<2000x50xf32>
    %mul3A_122 = arith.mulf %broadcast_in_dim3A_121, %mul3A_93 : vector<2000x50xf32>
    %add3A_123 = arith.constant 2.71236763E-6 : f32
    %add3A_124 = vector.broadcast %add3A_123 : f32 to vector<2000x50xf32>
    %add3A_125 = arith.addf %mul3A_122, %add3A_124 : vector<2000x50xf32>
    %mul3A_126 = arith.mulf %add3A_125, %mul3A_93 : vector<2000x50xf32>
    %add3A_127 = arith.constant -1.98204405E-4 : f32
    %add3A_128 = vector.broadcast %add3A_127 : f32 to vector<2000x50xf32>
    %add3A_129 = arith.addf %mul3A_126, %add3A_128 : vector<2000x50xf32>
    %mul3A_130 = arith.mulf %add3A_129, %mul3A_93 : vector<2000x50xf32>
    %add3A_131 = arith.constant 0.00833288115 : f32
    %add3A_132 = vector.broadcast %add3A_131 : f32 to vector<2000x50xf32>
    %add3A_133 = arith.addf %mul3A_130, %add3A_132 : vector<2000x50xf32>
    %mul3A_134 = arith.mulf %add3A_133, %mul3A_93 : vector<2000x50xf32>
    %add3A_135 = arith.constant -0.166666314 : f32
    %add3A_136 = vector.broadcast %add3A_135 : f32 to vector<2000x50xf32>
    %add3A_137 = arith.addf %mul3A_134, %add3A_136 : vector<2000x50xf32>
    %mul3A_138 = arith.mulf %add3A_137, %mul3A_93 : vector<2000x50xf32>
    %add3A_139 = arith.constant 0.99999994 : f32
    %add3A_140 = vector.broadcast %add3A_139 : f32 to vector<2000x50xf32>
    %add3A_141 = arith.addf %mul3A_138, %add3A_140 : vector<2000x50xf32>
    %mul3A_142 = arith.mulf %get3A_79, %add3A_141 : vector<2000x50xf32>
    %mul3A_143 = arith.mulf %mul3A_92, %add3A_119 : vector<2000x50xf32>
    %mul3A_144 = arith.mulf %mul3A_92, %mul3A_142 : vector<2000x50xf32>
    %bitcast_convert_type3A_145 = tpu.bitcast %mul3A_143 : vector<2000x50xf32> -> vector<2000x50xi32>
    %bitcast_convert_type3A_146 = tpu.bitcast %mul3A_144 : vector<2000x50xf32> -> vector<2000x50xi32>
    %add3A_147 = arith.constant 32768 : i32
    %add3A_148 = vector.broadcast %add3A_147 : i32 to vector<2000x50xi32>
    %add3A_149 = arith.addi %bitcast_convert_type3A_145, %add3A_148 : vector<2000x50xi32>
    %and3A_150 = arith.constant -65536 : i32
    %and3A_151 = vector.broadcast %and3A_150 : i32 to vector<2000x50xi32>
    %and3A_152 = arith.andi %add3A_149, %and3A_151 : vector<2000x50xi32>
    %add3A_153 = arith.constant 32768 : i32
    %add3A_154 = vector.broadcast %add3A_153 : i32 to vector<2000x50xi32>
    %add3A_155 = arith.addi %bitcast_convert_type3A_146, %add3A_154 : vector<2000x50xi32>
    %shift_right_logical3A_156 = arith.constant 16 : i32
    %shift_right_logical3A_157 = vector.broadcast %shift_right_logical3A_156 : i32 to vector<2000x50xi32>
    %shift_right_logical3A_158 = arith.shrui %add3A_155, %shift_right_logical3A_157 : vector<2000x50xi32>
    %or3A_159 = arith.ori %and3A_152, %shift_right_logical3A_158 : vector<2000x50xi32>
    %bitcast_convert_type3A_160 = tpu.bitcast %or3A_159 : vector<2000x50xi32> -> vector<2000x50xf32>
    %broadcast_in_dim3A_161 = arith.constant 0.000000e+00 : f32
    %broadcast_in_dim3A_162 = vector.broadcast %broadcast_in_dim3A_161 : f32 to vector<2000x14xf32>
    %concatenate3A = tpu.concatenate %bitcast_convert_type3A_73, %broadcast_in_dim3A_162, %bitcast_convert_type3A_160, %broadcast_in_dim3A_162 in 1 : vector<2000x50xf32>, vector<2000x14xf32>, vector<2000x50xf32>, vector<2000x14xf32> -> vector<2000x128xf32>
    %swap3A = arith.constant 0 : index
    %swap3A_163 = arith.constant 0 : index
    %swap3A_164 = vector.load %arg5[%swap3A, %swap3A_163] : memref<2000x128xf32, #tpu.memory_space<vmem>>, vector<2000x128xf32>
    tpu.vector_store %arg5[%swap3A, %swap3A_163], %concatenate3A {strides = array<i32>} : memref<2000x128xf32, #tpu.memory_space<vmem>>, vector<2000x128xf32>,
    return
  }
  func.func @transform_0(%arg0: i32) -> (i32, i32) {
    %c0_i32 = arith.constant 0 : i32
    %c0_i32_0 = arith.constant 0 : i32
    return %arg0, %c0_i32 : i32, i32
  }
  func.func @transform_1(%arg0: i32) -> (i32, i32) {
    %c0_i32 = arith.constant 0 : i32
    %c0_i32_0 = arith.constant 0 : i32
    return %arg0, %c0_i32 : i32, i32
  }
  func.func @transform_2(%arg0: i32) -> (i32, i32) {
    %add3A = arith.constant 25 : i32
    %add3A_0 = arith.addi %arg0, %add3A : i32
    %c0_i32 = arith.constant 0 : i32
    %c0_i32_1 = arith.constant 0 : i32
    return %add3A_0, %c0_i32 : i32, i32
  }
  func.func @transform_3(%arg0: i32) -> (i32, i32) {
    %add3A = arith.constant 25 : i32
    %add3A_0 = arith.addi %arg0, %add3A : i32
    %c0_i32 = arith.constant 0 : i32
    %c0_i32_1 = arith.constant 0 : i32
    return %add3A_0, %c0_i32 : i32, i32
  }
  func.func @transform_4(%arg0: i32) -> (i32, i32) {
    %c0_i32 = arith.constant 0 : i32
    %c0_i32_0 = arith.constant 0 : i32
    return %arg0, %c0_i32 : i32, i32
  }
}

module attributes {stable_mosaic.version = 14 : i64} {
  func.func @_head_body(%arg0: memref<4096x128xf32, #tpu.memory_space<vmem>>, %arg1: memref<128x400xf32, #tpu.memory_space<vmem>>, %arg2: memref<1x400xf32, #tpu.memory_space<vmem>>, %arg3: memref<1x400xf32, #tpu.memory_space<vmem>>, %arg4: memref<1x400xf32, #tpu.memory_space<vmem>>, %arg5: memref<400x2xf32, #tpu.memory_space<vmem>>, %arg6: memref<1x2xf32, #tpu.memory_space<vmem>>, %arg7: memref<4096x2xf32, #tpu.memory_space<vmem>>) attributes {dimension_semantics = [], scalar_prefetch = 0 : i64, scratch_operands = 0 : i64, tpu.core_type = #tpu.core_type<tc>} {
    %get3A = arith.constant 0 : index
    %get3A_0 = arith.constant 0 : index
    %get3A_1 = vector.load %arg0[%get3A, %get3A_0] : memref<4096x128xf32, #tpu.memory_space<vmem>>, vector<4096x128xf32>
    %get3A_2 = arith.constant 0 : index
    %get3A_3 = arith.constant 0 : index
    %get3A_4 = vector.load %arg1[%get3A_2, %get3A_3] : memref<128x400xf32, #tpu.memory_space<vmem>>, vector<128x400xf32>
    %dot_general3A = arith.constant dense<0.000000e+00> : vector<4096x400xf32>
    %dot_general3A_5 = tpu.matmul %get3A_1, %get3A_4, %dot_general3A {dimension_numbers = #tpu.dot_dimension_numbers<[1], [0], [0], [1], [0, 0, 1, 1], [], []>, transpose_lhs_hint = false} : vector<4096x128xf32>, vector<128x400xf32>, vector<4096x400xf32> -> vector<4096x400xf32>
    %get3A_6 = arith.constant 0 : index
    %get3A_7 = arith.constant 0 : index
    %get3A_8 = vector.load %arg2[%get3A_6, %get3A_7] : memref<1x400xf32, #tpu.memory_space<vmem>>, vector<1x400xf32>
    %add3A = vector.broadcast %get3A_8 : vector<1x400xf32> to vector<4096x400xf32>
    %add3A_9 = arith.addf %dot_general3A_5, %add3A : vector<4096x400xf32>
    %reduce_sum3A = arith.constant dense<0.000000e+00> : vector<400xf32>
    %reduce_sum3A_10 = vector.multi_reduction <add>, %add3A_9, %reduce_sum3A [0] : vector<4096x400xf32> to vector<400xf32>
    %broadcast_in_dim3A = vector.shape_cast %reduce_sum3A_10 : vector<400xf32> to vector<1x400xf32>
    %div3A = arith.constant 4.096000e+03 : f32
    %div3A_11 = vector.broadcast %div3A : f32 to vector<1x400xf32>
    %div3A_12 = arith.divf %broadcast_in_dim3A, %div3A_11 : vector<1x400xf32>
    %sub3A = vector.broadcast %div3A_12 : vector<1x400xf32> to vector<4096x400xf32>
    %sub3A_13 = arith.subf %add3A_9, %sub3A : vector<4096x400xf32>
    %mul3A = arith.mulf %sub3A_13, %sub3A_13 : vector<4096x400xf32>
    %reduce_sum3A_14 = arith.constant dense<0.000000e+00> : vector<400xf32>
    %reduce_sum3A_15 = vector.multi_reduction <add>, %mul3A, %reduce_sum3A_14 [0] : vector<4096x400xf32> to vector<400xf32>
    %broadcast_in_dim3A_16 = vector.shape_cast %reduce_sum3A_15 : vector<400xf32> to vector<1x400xf32>
    %div3A_17 = arith.constant 4.096000e+03 : f32
    %div3A_18 = vector.broadcast %div3A_17 : f32 to vector<1x400xf32>
    %div3A_19 = arith.divf %broadcast_in_dim3A_16, %div3A_18 : vector<1x400xf32>
    %add3A_20 = arith.constant 9.99999974E-6 : f32
    %add3A_21 = vector.broadcast %add3A_20 : f32 to vector<1x400xf32>
    %add3A_22 = arith.addf %div3A_19, %add3A_21 : vector<1x400xf32>
    %rsqrt3A = math.rsqrt %add3A_22 : vector<1x400xf32>
    %mul3A_23 = vector.broadcast %rsqrt3A : vector<1x400xf32> to vector<4096x400xf32>
    %mul3A_24 = arith.mulf %sub3A_13, %mul3A_23 : vector<4096x400xf32>
    %get3A_25 = arith.constant 0 : index
    %get3A_26 = arith.constant 0 : index
    %get3A_27 = vector.load %arg3[%get3A_25, %get3A_26] : memref<1x400xf32, #tpu.memory_space<vmem>>, vector<1x400xf32>
    %mul3A_28 = vector.broadcast %get3A_27 : vector<1x400xf32> to vector<4096x400xf32>
    %mul3A_29 = arith.mulf %mul3A_24, %mul3A_28 : vector<4096x400xf32>
    %get3A_30 = arith.constant 0 : index
    %get3A_31 = arith.constant 0 : index
    %get3A_32 = vector.load %arg4[%get3A_30, %get3A_31] : memref<1x400xf32, #tpu.memory_space<vmem>>, vector<1x400xf32>
    %add3A_33 = vector.broadcast %get3A_32 : vector<1x400xf32> to vector<4096x400xf32>
    %add3A_34 = arith.addf %mul3A_29, %add3A_33 : vector<4096x400xf32>
    %get3A_35 = arith.constant 0 : index
    %get3A_36 = arith.constant 0 : index
    %get3A_37 = vector.load %arg5[%get3A_35, %get3A_36] : memref<400x2xf32, #tpu.memory_space<vmem>>, vector<400x2xf32>
    %dot_general3A_38 = arith.constant dense<0.000000e+00> : vector<4096x2xf32>
    %dot_general3A_39 = tpu.matmul %add3A_34, %get3A_37, %dot_general3A_38 {dimension_numbers = #tpu.dot_dimension_numbers<[1], [0], [0], [1], [0, 0, 1, 1], [], []>, transpose_lhs_hint = false} : vector<4096x400xf32>, vector<400x2xf32>, vector<4096x2xf32> -> vector<4096x2xf32>
    %get3A_40 = arith.constant 0 : index
    %get3A_41 = arith.constant 0 : index
    %get3A_42 = vector.load %arg6[%get3A_40, %get3A_41] : memref<1x2xf32, #tpu.memory_space<vmem>>, vector<1x2xf32>
    %add3A_43 = vector.broadcast %get3A_42 : vector<1x2xf32> to vector<4096x2xf32>
    %add3A_44 = arith.addf %dot_general3A_39, %add3A_43 : vector<4096x2xf32>
    %swap3A = arith.constant 0 : index
    %swap3A_45 = arith.constant 0 : index
    %swap3A_46 = vector.load %arg7[%swap3A, %swap3A_45] : memref<4096x2xf32, #tpu.memory_space<vmem>>, vector<4096x2xf32>
    tpu.vector_store %arg7[%swap3A, %swap3A_45], %add3A_44 {strides = array<i32>} : memref<4096x2xf32, #tpu.memory_space<vmem>>, vector<4096x2xf32>,
    return
  }
}

</mosaic_0001>

<sc_bundles>
// kernel: kernel.5.cloned.1.call-start
scs
__scs_entry_jumppad:
0x0: {  	(pc) =	sbr.rel $0x88, $3  }
0x1: {  	(tag) =	ssettag $0x0;
	lr =	simm.s32 $0x1  }
0x2: {  	[smem:$0x3F98] =	sst lr;
	_ =	strace $0xD0000000  }
0x3: {  	_ = 	snop  }
0x4: {  	_ = 	snop  }
0x5: {  	_ = 	snop  }
0x6: {  	_ = 	snop  }
0x7: {  	_ = 	snop  }
__scs_overlays_trampoline_lowered:
0x8: {  	[smem:$0x3FA7] =	sst s0  }
0x9: {  	[smem:$0x3FA8] =	sst s1  }
0xa: {  	[smem:$0x3FA9] =	sst s2  }
0xb: {  	[smem:$0x3FAA] =	sst s3  }
0xc: {  	[smem:$0x3FAB] =	sst s4  }
0xd: {  	[smem:$0x3FAC] =	sst s5  }
0xe: {  	[smem:$0x3FAD] =	sst s6  }
0xf: {  	[smem:$0x3FAE] =	sst s7  }
0x10: {  	[smem:$0x3FAF] =	sst s8  }
0x11: {  	[smem:$0x3FB0] =	sst s9;
	s0 =	simm.s32 @!p0 $0x0  }
0x12: {  	s1 =	sld [smem:$0x3F96];
	s0 =	simm.s32 @p0 $0x1  }
0x13: {  	[smem:$0x3FB1] =	sst s0;
	s0 =	simm.s32 @!p1 $0x0  }
0x14: {  	s2 =	sld [smem:$0x3F95];
	s0 =	simm.s32 @p1 $0x1  }
0x15: {  	[smem:$0x3FB2] =	sst s0;
	s0 =	simm.s32 @!p2 $0x0  }
0x16: {  	s3 =	sld [smem:$0x3FDB];
	s0 =	simm.s32 @p2 $0x1  }
0x17: {  	s4 =	simm.s32 $0x1BF5;
	[smem:$0x3FB4] =	sst s0  }
0x18: {  	s0 =	sld [smem:$0x3F97];
	_ =	swait.ge [sflag:s4], $0x0  }
0x19: {  	s7 =	sld [smem:$0x3F98]  }
0x1a: {  	s8 =	sadd.s32 $0xFFFFE003, lr  }
0x1b: {  	s9 =	sadd.s32 $0xFFFFFEF7, lr;
	s5 =	simm.s32 $0xFFFFFFFF;
	p2 =	slt.u32 s8, $0xFFFFF086  }
0x1c: {  	p1 =	slt.u32 s9, $0xF7A;
	s5 =	simm.s32 @!p2 $0x0  }
0x1d: {  	s5 =	simm.s32 @p1 $0x1;
	p0 =	seq.s32 s7, s2  }
0x1e: {  	s7 =	smul.u32 @!p0 $0xF7A, s2;
	p2 =	seq.s32 @!p0 s5, $0x0  }
0x1f: {  	s9 =	smul.u32 $0xF7A, s1;
	s8 =	simm.s32 @!p0 $0x1BF5;
	p2 =	por !p2, p0  }
0x20: {  	[sflag:s8] =	ssyncset.s32 @!p0 $0xFFFFF086;
	s6 =	sadd.s32 @!p0 s3, s7;
	s7 =	simm.s32 @!p0 $0x108  }
0x21: {  	s3 =	sadd.s32 s3, s9;
	s6 =	sadd.s32 @!p0 $0x88, s6;
	s7 =	simm.s32 @p2 $0x1082  }
0x22: {  	[simem:s7], [sflag:s8] =	dma.local @!p0 [hbm:s6], $0xF7A  }
0x23: {  	s9 =	sor.u32 $0xD0000000, s2;
	s6 =	simm.s32 $0x108;
	_ =	swait.ge @!p0 [sflag:s8], $0x0  }
0x24: {  	s3 =	sadd.s32 $0x88, s3;
	s6 =	simm.s32 @!p1 $0x1082;
	[sflag:s4] =	ssyncset.s32 $0xFFFFF086  }
0x25: {  	[simem:s6], [sflag:s4] =	dma.local [hbm:s3], $0xF7A  }
0x26: {  	[smem:$0x3F98] =	sst s1;
	(tag) =	ssettag s2;
	_ =	strace s9  }
0x27: {  	s1 =	sld [smem:$0x3FA8]  }
0x28: {  	s2 =	sld [smem:$0x3FA9]  }
0x29: {  	s4 =	sld [smem:$0x3FAB]  }
0x2a: {  	p0 =	seq.s32 s5, $0x0;
	s5 =	sld [smem:$0x3FAC]  }
0x2b: {  	s6 =	sld [smem:$0x3FAD]  }
0x2c: {  	s7 =	sld [smem:$0x3FAE]  }
0x2d: {  	s3 =	simm.s32 $0x108;
	s8 =	sld [smem:$0x3FAF]  }
0x2e: {  	s3 =	simm.s32 @!p0 $0x1082;
	s9 =	sld [smem:$0x3FB0]  }
0x2f: {  	lr =	sadd.s32 s0, s3;
	s0 =	sld [smem:$0x3FA7]  }
0x30: {  	s3 =	sld [smem:$0x3FAA]  }
0x31: {  	[smem:$0x3FB3] =	sst s10  }
0x32: {  	s10 =	sld [smem:$0x3FB1];
	_ =	sdelay $0x3  }
0x33: {  	p0 =	seq.s32 s10, $0x1;
	s10 =	sld [smem:$0x3FB3];
	_ =	sdelay $0x3  }
0x34: {  	[smem:$0x3FB3] =	sst s10  }
0x35: {  	s10 =	sld [smem:$0x3FB2];
	_ =	sdelay $0x3  }
0x36: {  	p1 =	seq.s32 s10, $0x1;
	s10 =	sld [smem:$0x3FB3];
	_ =	sdelay $0x3  }
0x37: {  	[smem:$0x3FB3] =	sst s10  }
0x38: {  	s10 =	sld [smem:$0x3FB4]  }
0x39: {  	_ = 	snop;
	(pc) =	sbr.ind lr, $3  }
0x3a: {  	_ = 	snop  }
0x3b: {  	_ = 	snop  }
0x3c: {  	p2 =	seq.s32 s10, $0x1;
	s10 =	sld [smem:$0x3FB3]  }
0x3d: {  	_ =	shalt  }
0x3e: {  	_ =	shalt  }
0x3f: {  	_ =	shalt  }
0x40: {  	_ =	shalt  }
0x41: {  	_ =	shalt  }
0x42: {  	_ =	shalt  }
0x43: {  	_ =	shalt  }
0x44: {  	_ =	shalt  }
0x45: {  	_ =	shalt  }
0x46: {  	_ =	shalt  }
0x47: {  	_ =	shalt  }
0x48: {  	_ =	shalt  }
0x49: {  	_ =	shalt  }
0x4a: {  	_ =	shalt  }
0x4b: {  	_ =	shalt  }
0x4c: {  	_ =	shalt  }
0x4d: {  	_ =	shalt  }
0x4e: {  	_ =	shalt  }
0x4f: {  	_ =	shalt  }
0x50: {  	_ =	shalt  }
0x51: {  	_ =	shalt  }
0x52: {  	_ =	shalt  }
0x53: {  	_ =	shalt  }
0x54: {  	_ =	shalt  }
0x55: {  	_ =	shalt  }
0x56: {  	_ =	shalt  }
0x57: {  	_ =	shalt  }
0x58: {  	_ =	shalt  }
0x59: {  	_ =	shalt  }
0x5a: {  	_ =	shalt  }
0x5b: {  	_ =	shalt  }
0x5c: {  	_ =	shalt  }
0x5d: {  	_ =	shalt  }
0x5e: {  	_ =	shalt  }
0x5f: {  	_ =	shalt  }
0x60: {  	_ =	shalt  }
0x61: {  	_ =	shalt  }
0x62: {  	_ =	shalt  }
0x63: {  	_ =	shalt  }
0x64: {  	_ =	shalt  }
0x65: {  	_ =	shalt  }
0x66: {  	_ =	shalt  }
0x67: {  	_ =	shalt  }
0x68: {  	_ =	shalt  }
0x69: {  	_ =	shalt  }
0x6a: {  	_ =	shalt  }
0x6b: {  	_ =	shalt  }
0x6c: {  	_ =	shalt  }
0x6d: {  	_ =	shalt  }
0x6e: {  	_ =	shalt  }
0x6f: {  	_ =	shalt  }
0x70: {  	_ =	shalt  }
0x71: {  	_ =	shalt  }
0x72: {  	_ =	shalt  }
0x73: {  	_ =	shalt  }
0x74: {  	_ =	shalt  }
0x75: {  	_ =	shalt  }
0x76: {  	_ =	shalt  }
0x77: {  	_ =	shalt  }
0x78: {  	_ =	shalt  }
0x79: {  	_ =	shalt  }
0x7a: {  	_ =	shalt  }
0x7b: {  	_ =	shalt  }
0x7c: {  	_ =	shalt  }
0x7d: {  	_ =	shalt  }
0x7e: {  	_ =	shalt  }
0x7f: {  	_ =	shalt  }
0x80: {  	_ =	shalt  }
0x81: {  	_ =	shalt  }
0x82: {  	_ =	shalt  }
0x83: {  	_ =	shalt  }
0x84: {  	_ =	shalt  }
0x85: {  	_ =	shalt  }
0x86: {  	_ =	shalt  }
0x87: {  	_ =	shalt  }
.Lfunc_end0:
.L_simem_size_0:
called_computation_lowered:
.L_overlay_start_0:
0x88: {  	s2 =	sld [smem:$0x3FD9]  }
0x89: {  	s3 =	sld [smem:$0x3FFE];
	_ =	sdelay $0x1  }
0x8a: {  	s1 =	srdreg.scid  }
0x8b: {  	s0 =	sand.u32 $0x1, s1  }
0x8c: {  	s16 =	sshll.u32 s0, $0xA;
	s2 =	sadd.s32 s3, s2  }
0x8d: {  	s2 =	sadd.s32 s2, s16  }
0x8e: {  	[smem:$0x3FBF] =	sst s2  }
0x8f: {  	_ = 	snop  }
0x90: {  	(tm) =	ssettm $0x1  }
0x91: {  	s17 =	sld [smem:$0x3FFB];
	_ =	sdelay $0x3  }
0x92: {  	_ =	strace s17  }
0x93: {  	s2 =	sld [smem:$0x3FFC];
	_ =	sdelay $0x3  }
0x94: {  	_ =	strace s2  }
0x95: {  	s2 =	sld [smem:$0x3FFD];
	_ =	sdelay $0x3  }
0x96: {  	_ =	strace s2  }
0x97: {  	_ =	strace $0x8FFFFFFF  }
0x98: {  	s18 =	sld [smem:$0x3FDB];
	_ =	sdelay $0x1  }
0x99: {  	s19 =	simm.s32 $_scs_section_size  }
0x9a: {  	s4 =	simm.s32 $_size__tile_overlayer_lowered;
	s5 =	simm.s32 $_tile_overlayer_lowered  }
0x9b: {  	s22 =	simm.s32 $0x1BFF;
	s21 =	sshll.u32 s5, $0x1;
	s2 =	sadd.s32 s19, s18  }
0x9c: {  	s6 =	simm.s32 $0x0;
	s20 =	sshll.u32 s4, $0x1;
	s4 =	sadd.s32 s21, s2  }
0x9d: {  	[timem:s6], [sflag:s22] =	dma.local [hbm:s4], s20  }
0x9e: {  	_ =	swait.ge [sflag:s22], s20  }
0x9f: {  	s3 =	ssub.s32 $0x0, s20;
	[sflag:s22] =	ssyncset.done $0x0  }
0xa0: {  	[sflag:s22] =	ssyncadd.s32 s3;
	_ =	sdelay $0x1  }
0xa1: {  	s23 =	simm.s32 $0x1B8B  }
0xa2: {  	_ =	swait.ge [sflag:s23], $0x1  }
0xa3: {  	[sflag:s23] =	ssyncset.done $0x0  }
0xa4: {  	s25 =	simm.s32 $0x1B8E;
	s24 =	sld [smem:$0x3FFE];
	[sflag:s23] =	ssyncadd.s32 $0xFFFFFFFF  }
0xa5: {  	s26 =	simm.s32 $execute0_lowered;
	[smem:$0x3FD2] =	sst s25  }
0xa6: {  	s4 =	sshll.u32 s26, $0x1;
	_ =	strace $0x80000046;
	[dreg:$0x1] =	wrdreg $0xFFFFFFFF  }
0xa7: {  	s28 =	simm.s32 $_size_execute0_lowered;
	s2 =	sadd.s32 s2, s4;
	[dreg:$0x0] =	wrdreg $0x0  }
0xa8: {  	s4 =	sshll.u32 s28, $0x1;
	[dreg:$0x2] =	wrdreg s2  }
0xa9: {  	[dreg:$0x3] =	wrdreg s4  }
0xaa: {  	[dreg:$0x4] =	wrdreg $0xC0  }
0xab: {  	_ =	task [dreg:s6], $0x5FFFF  }
0xac: {  	[dreg:$0x1] =	wrdreg $0xFFFFFFFF  }
0xad: {  	[dreg:$0x0] =	wrdreg $0x60  }
0xae: {  	[dreg:$0x2] =	wrdreg s24  }
0xaf: {  	[dreg:$0x3] =	wrdreg $0x9  }
0xb0: {  	_ =	task.clear_ibuf [dreg:s6], $0x4FFFF;
	_ =	strace $0x90000046  }
0xb1: {  	s29 =	simm.s32 $0x9;
	_ =	strace $0x80000048  }
0xb2: {  	_ =	swait.ge [sflag:s29], $0x1  }
0xb3: {  	[sflag:s29] =	ssyncadd.s32 $0xFFFFFFFF  }
0xb4: {  	_ =	strace $0x90000048  }
0xb5: {  	_ =	sfence  }
0xb6: {  	s30 =	sld [smem:$0x0];
	_ =	sdelay $0x2  }
0xb7: {  	s31 =	sshll.u32 s1, $0xD;
	s1 =	sshrl.u32 s1, $0x2  }
0xb8: {  	s3 =	sand.u32 $0x4000, s31;
	s1 =	sadd.s32 s1, s30  }
0xb9: {  	s0 =	sor.u32 s3, s0;
	s1 =	sshll.u32 s1, $0x11  }
0xba: {  	s0 =	sor.u32 s1, s0  }
0xbb: {  	s0 =	sadd.s32 $0x8F2B, s0  }
0xbc: {  	[sflag:s0] =	ssyncadd.remote.s32 $0x1  }
0xbd: {  	_ =	sfence.sel $0xFFFF  }
0xbe: {  	[dreg:$0x0] =	wrdreg $0xFFFFFFFF;
	(pc) =	sbr.abs _section_cstart, $3  }
0xbf: {  	[dreg:$0x1] =	wrdreg $0xFFFFFFFF  }
0xc0: {  	_ =	task.clear_ibuf [dreg:s6], $0x2FFFF;
	_ =	strace $0x9FFFFFFF  }
0xc1: {  	(tm) =	ssettm $0x7FFFFFFF  }
tec
execute0_lowered:
.L_overlay_start_1:
0x0: {  	(tag) =	ssettag $0x1  }
0x1: {  	s1 =	srdreg.scid;
	s0 =	stileid.u32  }
0x2: {  	s4 =	rddreg [dreg:$0x0];
	s2 =	simm.s32 $0x0;
	s9 =	simm.s32 $0x6400  }
0x3: {  	s10 =	simm.s32 $0x60;
	s11 =	simm.s32 $0x7E00;
	s12 =	simm.s32 $0xC8  }
0x4: {  	s13 =	simm.s32 $0x9600;
	s14 =	simm.s32 $0x130;
	s15 =	simm.s32 $0xB000  }
0x5: {  	s16 =	simm.s32 $0x1;
	s17 =	simm.s32 $0x2;
	s18 =	simm.s32 $0xC800  }
0x6: {  	s5 =	sand.u32 $0x1, s1;
	s3 =	sshll.u32 s0, $0x1;
	s1 =	rddreg [dreg:$0x1]  }
0x7: {  	s19 =	simm.s32 $0x0;
	[smem:$0x7FF] =	sst s2;
	s6 =	sor.u32 s5, s3  }
.Ltmp0:
0x8: {  	_ =	strace $0x80000047;
	s5 =	ssub.s32 $0x2, s5;
	(pc) =	sbr.rel .LBB2_1-.Ltmp0, $4  }
0x9: {  	s7 =	smul.u32 $0xC80, s6;
	s6 =	sshll.u32 s6, $0xB;
	s8 =	sshrl.u32 s5, $0x1  }
0xa: {  	s3 =	sadd.s32 $0x327C00, s4;
	s6 =	sadd.s32 s6, s4;
	s8 =	ssub.s32 s5, s8  }
0xb: {  	s7 =	sadd.s32 s7, s4;
	s5 =	sadd.s32 $0x1800, s6;
	s6 =	smax.u32 s8, $0x1  }
0xc: {  	s8 =	simm.s32 $0x68;
	s4 =	sadd.s32 $0x30EC00, s7;
	s7 =	simm.s32 $0x3  }
.LBB2_10:
0xd: {  	s19 =	sadd.s32 $0x1, s19  }
0xe: {  	p0 =	sne.s32 s19, s6  }
.Ltmp1:
0xf: {  	_ = 	snop;
	(pc) =	sbr.rel @!p0 .LBB2_11-.Ltmp1, $4  }
0x10: {  	[hbm4b:s5+s2] =	stream.linear.scatter [tilespmem:s18], [sflag:$0x3], $0x4000, $0x38;
	[tilespmem:$0x10800] =	vst v63  }
0x11: {  	_ =	swait.ge [sflag:s7], $0x4000  }
0x12: {  	[sflag:s7] =	ssyncset.done $0x0  }
0x13: {  	[sflag:s7] =	ssyncadd.s32 $0xFFFFC000  }
.LBB2_1:
0x14: {  	[tilespmem:s2], [sflag:$0x3] =	stream.linear.gather [hbm4b:s4+s2], $0x6400, $0x38;
	[tilespmem:$0x10800] =	vst v63  }
0x15: {  	_ =	swait.ge [sflag:s7], $0x6400  }
0x16: {  	[sflag:s7] =	ssyncset.done $0x0  }
0x17: {  	s20 =	simm.s32 $0x0;
	s21 =	simm.s32 $0x40;
	[sflag:s7] =	ssyncadd.s32 $0xFFFF9C00  }
.LBB2_2:
0x18: {  	p0 =	sne.s32 s21, $0x18FC0;
	v0 =	vld [tilespmem:s20+$0x0];
	_ =	sdelay $0x3  }
.Ltmp2:
0x19: {  	(pc) =	sbr.rel @p0 .LBB2_2-.Ltmp2, $4  }
0x1a: {  	v1 =	vshll.u32 v0, $0x1  }
0x1b: {  	vm0 =	vgt.s32 v0, $0xC34F;
	v0 =	vadd.s32 $0xFFFE7961, v1  }
0x1c: {  	v0 =	vsel vm0, v0, v1  }
0x1d: {  	[tilespmem:s20+$0x0] =	vst v0;
	s20 =	sshra.s32 s21, $0x2;
	s21 =	sadd.s32 $0x40, s21  }
0x1e: {  	v0 =	vld [tilespmem:s20+$0x0];
	_ =	sdelay $0x4  }
0x1f: {  	v1 =	vshll.u32 v0, $0x1  }
0x20: {  	vm0 =	vgt.s32 v0, $0xC34F;
	v63 =	vadd.s32 $0xFFFE7961, v1  }
0x21: {  	v0 =	vsel vm0, v63, v1  }
0x22: {  	[tilespmem:s20+$0x0] =	vst v0;
	s20 =	simm.s32 $0x0  }
0x23: {  	[tilespmem:s9], [sflag:$0x1] =	stream.indirect.gather [hbm4b:s3+s8], $0x40, s20, s8, $0xb8;
	[tilespmem:$0x10800] =	vst v63  }
0x24: {  	_ = 	snop  }
0x25: {  	[tilespmem:s11], [sflag:$0x1] =	stream.indirect.gather [hbm4b:s3+s10], $0x40, s8, s10, $0xb8;
	[tilespmem:$0x10800] =	vst v63  }
0x26: {  	_ = 	snop  }
0x27: {  	[tilespmem:s13], [sflag:$0x2] =	stream.indirect.gather [hbm4b:s3+s8], $0x40, s12, s8, $0xb8;
	[tilespmem:$0x10800] =	vst v63  }
0x28: {  	_ = 	snop  }
0x29: {  	[tilespmem:s15], [sflag:$0x2] =	stream.indirect.gather [hbm4b:s3+s10], $0x40, s14, s10, $0xb8;
	[tilespmem:$0x10800] =	vst v63  }
.LBB2_4:
0x2a: {  	_ =	swait.ge [sflag:s16], $0x3200  }
0x2b: {  	[sflag:s16] =	ssyncset.done $0x0  }
0x2c: {  	s21 =	simm.s32 $0x0;
	[sflag:s16] =	ssyncadd.s32 $0xFFFFCE00  }
0x2d: {  	v0 =	vld [tilespmem:s21+$0x6440]  }
0x2e: {  	v1 =	vld [tilespmem:s21+$0x6450]  }
0x2f: {  	v2 =	vld [tilespmem:s21+$0x6460]  }
0x30: {  	v16 =	vld [tilespmem:s21+$0x6400]  }
0x31: {  	v6 =	vimm.f32 $0.0e+00;
	v14 =	vimm.f32 $0.0e+00;
	v17 =	vld [tilespmem:s21+$0x6410]  }
0x32: {  	v10 =	vimm.f32 $0.0e+00;
	v11 =	vimm.f32 $0.0e+00;
	v4 =	vimm.f32 $0.0e+00  }
0x33: {  	v5 =	vimm.f32 $0.0e+00;
	v3 =	vimm.f32 $0.0e+00;
	v15 =	vld [tilespmem:s21+$0x6420];
	v12 =	vand.u32 $0xFFFF0000, v0  }
0x34: {  	v13 =	vshll.u32 v0, $0x10;
	v8 =	vand.u32 $0xFFFF0000, v1;
	v9 =	vshll.u32 v1, $0x10  }
0x35: {  	s22 =	simm.s32 $0x200;
	v7 =	vld [tilespmem:s21+$0x6430];
	v1 =	vand.u32 $0xFFFF0000, v2;
	v0 =	vshll.u32 v2, $0x10;
	v2 =	vimm.f32 $0.0e+00  }
.LBB2_5:
0x36: {  	p0 =	sne.s32 s22, $0xC600;
	v18 =	vand.u32 $0xFFFF0000, v16;
	v16 =	vshll.u32 v16, $0x10;
	v19 =	vand.u32 $0xFFFF0000, v17  }
0x37: {  	v6 =	vadd.f32 v18, v6;
	v14 =	vadd.f32 v16, v14;
	v16 =	vshll.u32 v17, $0x10;
	v18 =	vld [tilespmem:s21+$0x6470];
	s21 =	sshra.s32 s22, $0x2  }
0x38: {  	v10 =	vadd.f32 v19, v10;
	v20 =	vld [tilespmem:s21+$0x6440];
	v11 =	vadd.f32 v16, v11;
	v17 =	vand.u32 $0xFFFF0000, v15  }
0x39: {  	v15 =	vshll.u32 v15, $0x10;
	v19 =	vld [tilespmem:s21+$0x6450];
	v6 =	vadd.f32 v12, v6;
	v14 =	vadd.f32 v13, v14  }
0x3a: {  	v10 =	vadd.f32 v8, v10;
	v21 =	vld [tilespmem:s21+$0x6460];
	v12 =	vand.u32 $0xFFFF0000, v7;
	v11 =	vadd.f32 v9, v11  }
0x3b: {  	v4 =	vadd.f32 v17, v4;
	v5 =	vadd.f32 v15, v5;
	v7 =	vshll.u32 v7, $0x10;
	v16 =	vld [tilespmem:s21+$0x6400]  }
.Ltmp3:
0x3c: {  	v3 =	vadd.f32 v12, v3;
	v2 =	vadd.f32 v7, v2;
	v17 =	vld [tilespmem:s21+$0x6410];
	v7 =	vand.u32 $0xFFFF0000, v18;
	(pc) =	sbr.rel @p0 .LBB2_5-.Ltmp3, $4  }
0x3d: {  	v4 =	vadd.f32 v1, v4;
	v5 =	vadd.f32 v0, v5;
	v0 =	vshll.u32 v18, $0x10  }
0x3e: {  	v3 =	vadd.f32 v7, v3;
	v2 =	vadd.f32 v0, v2;
	v15 =	vld [tilespmem:s21+$0x6420]  }
0x3f: {  	v12 =	vand.u32 $0xFFFF0000, v20;
	v13 =	vshll.u32 v20, $0x10;
	v8 =	vand.u32 $0xFFFF0000, v19  }
0x40: {  	s22 =	sadd.s32 $0x200, s22;
	v9 =	vshll.u32 v19, $0x10;
	v1 =	vand.u32 $0xFFFF0000, v21;
	v0 =	vshll.u32 v21, $0x10;
	v7 =	vld [tilespmem:s21+$0x6430]  }
0x41: {  	v18 =	vand.u32 $0xFFFF0000, v16  }
0x42: {  	v16 =	vshll.u32 v16, $0x10;
	v19 =	vand.u32 $0xFFFF0000, v17;
	v6 =	vadd.f32 v18, v6  }
0x43: {  	v14 =	vadd.f32 v16, v14;
	v16 =	vshll.u32 v17, $0x10;
	v10 =	vadd.f32 v19, v10  }
0x44: {  	v11 =	vadd.f32 v16, v11;
	v16 =	vand.u32 $0xFFFF0000, v15;
	v6 =	vadd.f32 v12, v6  }
0x45: {  	v17 =	vld [tilespmem:s21+$0x6470];
	v15 =	vshll.u32 v15, $0x10;
	v12 =	vadd.f32 v13, v14;
	v8 =	vadd.f32 v8, v10  }
0x46: {  	v4 =	vadd.f32 v16, v4;
	v5 =	vadd.f32 v15, v5  }
0x47: {  	s31 =	sshll.u32 s20, $0x8;
	v13 =	vand.u32 $0xFFFF0000, v7;
	v7 =	vshll.u32 v7, $0x10;
	v6 =	vmul.f32 $4.999999890e-03, v6  }
0x48: {  	s21 =	sand.u32 $0x3FFFFF00, s31;
	v9 =	vadd.f32 v9, v11;
	v10 =	vmul.f32 $4.999999890e-03, v12;
	v2 =	vadd.f32 v7, v2  }
0x49: {  	v1 =	vadd.f32 v1, v4;
	v4 =	vmul.f32 $4.999999890e-03, v8;
	v0 =	vadd.f32 v0, v5;
	[tilespmem:s21+$0xC800] =	vst v6  }
0x4a: {  	v3 =	vadd.f32 v13, v3;
	v5 =	vmul.f32 $4.999999890e-03, v9;
	v7 =	vshll.u32 v17, $0x10;
	[tilespmem:s21+$0xC840] =	vst v10  }
0x4b: {  	v6 =	vand.u32 $0xFFFF0000, v17;
	[tilespmem:s21+$0xC810] =	vst v4;
	v2 =	vadd.f32 v7, v2;
	v0 =	vmul.f32 $4.999999890e-03, v0  }
0x4c: {  	p0 =	seq.s32 s20, $0x3F;
	v1 =	vmul.f32 $4.999999890e-03, v1;
	v3 =	vadd.f32 v6, v3;
	[tilespmem:s21+$0xC850] =	vst v5  }
0x4d: {  	s22 =	smul.u32 @!p0 $0x640, s20;
	[tilespmem:s21+$0xC860] =	vst v0;
	v0 =	vmul.f32 $4.999999890e-03, v2  }
0x4e: {  	[tilespmem:s21+$0xC820] =	vst v1;
	v1 =	vmul.f32 $4.999999890e-03, v3  }
0x4f: {  	s22 =	sshra.s32 @!p0 s22, $0x2;
	[tilespmem:s21+$0xC870] =	vst v0  }
0x50: {  	s24 =	simm.s32 @!p0 $0x68;
	s25 =	simm.s32 @!p0 $0x6400;
	s23 =	sadd.s32 @!p0 $0x190, s22;
	[tilespmem:s21+$0xC830] =	vst v1  }
0x51: {  	[tilespmem:s25], [sflag:$0x1] =	stream.indirect.gather @!p0 [hbm4b:s3+s24], $0x40, s23, s24, $0xb8;
	[tilespmem:$0x10800] =	vst v63  }
0x52: {  	s22 =	sadd.s32 @!p0 $0x1F8, s22;
	s23 =	simm.s32 @!p0 $0x60;
	s24 =	simm.s32 @!p0 $0x7E00  }
0x53: {  	[tilespmem:s24], [sflag:$0x1] =	stream.indirect.gather @!p0 [hbm4b:s3+s23], $0x40, s22, s23, $0xb8;
	[tilespmem:$0x10800] =	vst v63  }
0x54: {  	_ =	swait.ge [sflag:s17], $0x3200  }
0x55: {  	[sflag:s17] =	ssyncset.done $0x0  }
0x56: {  	s22 =	simm.s32 $0x0;
	[sflag:s17] =	ssyncadd.s32 $0xFFFFCE00  }
0x57: {  	v0 =	vld [tilespmem:s22+$0x9640]  }
0x58: {  	v1 =	vld [tilespmem:s22+$0x9650]  }
0x59: {  	v2 =	vld [tilespmem:s22+$0x9660]  }
0x5a: {  	v16 =	vld [tilespmem:s22+$0x9600]  }
0x5b: {  	v14 =	vimm.f32 $0.0e+00;
	v11 =	vimm.f32 $0.0e+00;
	v17 =	vld [tilespmem:s22+$0x9610]  }
0x5c: {  	v10 =	vimm.f32 $0.0e+00;
	v4 =	vimm.f32 $0.0e+00;
	v6 =	vimm.f32 $0.0e+00  }
0x5d: {  	v5 =	vimm.f32 $0.0e+00;
	v3 =	vimm.f32 $0.0e+00;
	v15 =	vld [tilespmem:s22+$0x9620];
	v12 =	vand.u32 $0xFFFF0000, v0  }
0x5e: {  	v13 =	vshll.u32 v0, $0x10;
	v7 =	vand.u32 $0xFFFF0000, v1;
	v9 =	vshll.u32 v1, $0x10  }
0x5f: {  	s23 =	simm.s32 $0x200;
	v8 =	vld [tilespmem:s22+$0x9630];
	v1 =	vand.u32 $0xFFFF0000, v2;
	v0 =	vshll.u32 v2, $0x10;
	v2 =	vimm.f32 $0.0e+00  }
.LBB2_7:
0x60: {  	p1 =	sne.s32 s23, $0xC600;
	v18 =	vand.u32 $0xFFFF0000, v16;
	v16 =	vshll.u32 v16, $0x10;
	v19 =	vand.u32 $0xFFFF0000, v17  }
0x61: {  	v6 =	vadd.f32 v18, v6;
	v14 =	vadd.f32 v16, v14;
	v16 =	vshll.u32 v17, $0x10;
	v18 =	vld [tilespmem:s22+$0x9670];
	s22 =	sshra.s32 s23, $0x2  }
0x62: {  	v10 =	vadd.f32 v19, v10;
	v20 =	vld [tilespmem:s22+$0x9640];
	v11 =	vadd.f32 v16, v11;
	v17 =	vand.u32 $0xFFFF0000, v15  }
0x63: {  	v15 =	vshll.u32 v15, $0x10;
	v19 =	vld [tilespmem:s22+$0x9650];
	v6 =	vadd.f32 v12, v6;
	v14 =	vadd.f32 v13, v14  }
0x64: {  	v10 =	vadd.f32 v7, v10;
	v21 =	vld [tilespmem:s22+$0x9660];
	v12 =	vand.u32 $0xFFFF0000, v8;
	v11 =	vadd.f32 v9, v11  }
0x65: {  	v3 =	vadd.f32 v17, v3;
	v5 =	vadd.f32 v15, v5;
	v7 =	vshll.u32 v8, $0x10;
	v16 =	vld [tilespmem:s22+$0x9600]  }
.Ltmp4:
0x66: {  	v4 =	vadd.f32 v12, v4;
	v2 =	vadd.f32 v7, v2;
	v17 =	vld [tilespmem:s22+$0x9610];
	v7 =	vand.u32 $0xFFFF0000, v18;
	(pc) =	sbr.rel @p1 .LBB2_7-.Ltmp4, $4  }
0x67: {  	v3 =	vadd.f32 v1, v3;
	v5 =	vadd.f32 v0, v5;
	v0 =	vshll.u32 v18, $0x10  }
0x68: {  	v4 =	vadd.f32 v7, v4;
	v2 =	vadd.f32 v0, v2;
	v15 =	vld [tilespmem:s22+$0x9620]  }
0x69: {  	v12 =	vand.u32 $0xFFFF0000, v20;
	v13 =	vshll.u32 v20, $0x10;
	v7 =	vand.u32 $0xFFFF0000, v19  }
0x6a: {  	s23 =	sadd.s32 $0x200, s23;
	v9 =	vshll.u32 v19, $0x10;
	v1 =	vand.u32 $0xFFFF0000, v21;
	v0 =	vshll.u32 v21, $0x10;
	v8 =	vld [tilespmem:s22+$0x9630]  }
0x6b: {  	v18 =	vand.u32 $0xFFFF0000, v16  }
0x6c: {  	v49 =	vshll.u32 v16, $0x10;
	v19 =	vand.u32 $0xFFFF0000, v17;
	v6 =	vadd.f32 v18, v6  }
0x6d: {  	v50 =	vshll.u32 v17, $0x10;
	v14 =	vadd.f32 v49, v14;
	v10 =	vadd.f32 v19, v10  }
0x6e: {  	v11 =	vadd.f32 v50, v11;
	v6 =	vadd.f32 v12, v6  }
0x6f: {  	v52 =	vld [tilespmem:s22+$0x9670];
	v51 =	vand.u32 $0xFFFF0000, v15;
	v54 =	vadd.f32 v13, v14;
	v7 =	vadd.f32 v7, v10  }
0x70: {  	v53 =	vshll.u32 v15, $0x10;
	v9 =	vadd.f32 v9, v11;
	v3 =	vadd.f32 v51, v3  }
0x71: {  	v5 =	vadd.f32 v53, v5;
	v55 =	vand.u32 $0xFFFF0000, v8;
	v6 =	vmul.f32 $4.999999890e-03, v6  }
0x72: {  	v56 =	vshll.u32 v8, $0x10;
	v4 =	vadd.f32 v55, v4;
	v57 =	vmul.f32 $4.999999890e-03, v54  }
0x73: {  	v2 =	vadd.f32 v56, v2;
	v1 =	vadd.f32 v1, v3;
	v58 =	vmul.f32 $4.999999890e-03, v7;
	[tilespmem:s21+$0xC880] =	vst v6  }
0x74: {  	v59 =	vand.u32 $0xFFFF0000, v52;
	v0 =	vadd.f32 v0, v5;
	v60 =	vmul.f32 $4.999999890e-03, v9;
	[tilespmem:s21+$0xC8C0] =	vst v57  }
0x75: {  	v61 =	vshll.u32 v52, $0x10;
	v4 =	vadd.f32 v59, v4;
	[tilespmem:s21+$0xC890] =	vst v58;
	v1 =	vmul.f32 $4.999999890e-03, v1  }
.Ltmp5:
0x76: {  	v2 =	vadd.f32 v61, v2;
	[tilespmem:s21+$0xC8D0] =	vst v60;
	v0 =	vmul.f32 $4.999999890e-03, v0;
	(pc) =	sbr.rel @p0 .LBB2_10-.Ltmp5, $4  }
0x77: {  	[tilespmem:s21+$0xC8A0] =	vst v1;
	v62 =	vmul.f32 $4.999999890e-03, v4  }
0x78: {  	[tilespmem:s21+$0xC8E0] =	vst v0;
	v63 =	vmul.f32 $4.999999890e-03, v2  }
0x79: {  	[tilespmem:s21+$0xC8B0] =	vst v62  }
0x7a: {  	[tilespmem:s21+$0xC8F0] =	vst v63  }
0x7b: {  	s21 =	smul.u32 $0x640, s20;
	_ =	sdelay $0x1  }
.Ltmp6:
0x7c: {  	s21 =	sshra.s32 s21, $0x2;
	(pc) =	sbr.rel .LBB2_4-.Ltmp6, $4  }
0x7d: {  	s22 =	sadd.s32 $0x258, s21  }
0x7e: {  	[tilespmem:s13], [sflag:$0x2] =	stream.indirect.gather [hbm4b:s3+s8], $0x40, s22, s8, $0xb8;
	[tilespmem:$0x10800] =	vst v63  }
0x7f: {  	s20 =	sadd.s32 $0x1, s20;
	s21 =	sadd.s32 $0x2C0, s21  }
0x80: {  	[tilespmem:s15], [sflag:$0x2] =	stream.indirect.gather [hbm4b:s3+s10], $0x40, s21, s10, $0xb8;
	[tilespmem:$0x10800] =	vst v63  }
.LBB2_11:
0x81: {  	_ =	sfence.sel $0x180000  }
0x82: {  	[bflag:$0x0] =	sbarrier.arrive $0xFFFF  }
0x83: {  	p0 =	sne.s32 s0, $0x0;
	_ =	strace $0x90000047  }
0x84: {  	s0 =	sadd.s32 @!p0 $0x100000, s1;
	[bflag:$0x2] =	sbarrier.arrive $0xFFFF  }
0x85: {  	[sflag:s0] =	ssyncadd.tile.s32 @!p0 $0x1;
	_ =	shalt  }
.Lfunc_end2:
_tile_overlayer_lowered:
.L_overlay_start_2:
0x86: {  	(tag) =	ssettag $0x2  }
0x87: {  	s0 =	rddreg [dreg:$0x0];
	s2 =	stileid.u32  }
0x88: {  	s1 =	rddreg [dreg:$0x1];
	p0 =	sne.s32 s2, $0x0  }
0x89: {  	s3 =	rddreg [dreg:$0x2];
	[bflag:$0x3] =	sbarrier.arrive $0xFFFF;
	s2 =	simm.s32 @!p0 $0x1C03  }
0x8a: {  	[timem:s3], [sflag:s2] =	dma.local @!p0 [hbm:s0], s1  }
0x8b: {  	s0 =	simm.s32 @!p0 $0x3  }
0x8c: {  	_ =	swait.ge @!p0 [sflag:s0], s1  }
0x8d: {  	s1 =	ssub.s32 @!p0 $0x0, s1;
	[sflag:s0] =	ssyncset.done @!p0 $0x0  }
0x8e: {  	[sflag:s0] =	ssyncadd.s32 @!p0 s1  }
0x8f: {  	[bflag:$0x3] =	sbarrier.arrive $0xFFFF  }
0x90: {  	_ =	shalt  }

</sc_bundles>
